<compile_context>
chip_gen: v7x
topology: tpu7x:2x2x1
jax: 0.10.2.dev20260603
libtpu: 0.0.44.dev20260713+nightly
codegen_flags: <defaults>
</compile_context>

<pallas_src>
import functools

import jax
import jax.numpy as jnp
from jax import lax
from jax.experimental import pallas as pl
from jax.experimental.pallas import tpu as pltpu
from jax.experimental.pallas import tpu_sc as plsc

HIDDEN = 16
NUM_WORKERS = 32
CHUNK = 1600


NBUF = 3


def _gather_body(ids_hbm, table_hbm, out_hbm,
                 idx_a, idx_b, idx_c, rows_a, rows_b, rows_c,
                 gsem_a, gsem_b, gsem_c, ssem_a, ssem_b, ssem_c,
                 *, rows_per_worker, n_chunks):
    wid = lax.axis_index("s") * 2 + lax.axis_index("c")
    base = wid * rows_per_worker

    idx = (idx_a, idx_b, idx_c)
    rows = (rows_a, rows_b, rows_c)
    gsems = (gsem_a, gsem_b, gsem_c)
    ssems = (ssem_a, ssem_b, ssem_c)

    gather_cp = [None] * NBUF
    store_cp = [None] * NBUF
    prev = None
    for j in range(n_chunks):
        s = j % NBUF
        off = base + j * CHUNK
        if store_cp[s] is not None:
            store_cp[s].wait()
            store_cp[s] = None
        pltpu.sync_copy(ids_hbm.at[pl.ds(off, CHUNK)], idx[s])
        gather_cp[s] = pltpu.async_copy(table_hbm.at[idx[s]], rows[s], gsems[s])
        if prev is not None:
            ps, poff = prev
            gather_cp[ps].wait()
            store_cp[ps] = pltpu.async_copy(
                rows[ps], out_hbm.at[pl.ds(poff, CHUNK), pl.ds(0, HIDDEN)],
                ssems[ps])
        prev = (s, off)
    ps, poff = prev
    gather_cp[ps].wait()
    store_cp[ps] = pltpu.async_copy(
        rows[ps], out_hbm.at[pl.ds(poff, CHUNK), pl.ds(0, HIDDEN)], ssems[ps])
    for s in range(NBUF):
        if store_cp[s] is not None:
            store_cp[s].wait()


def kernel(input_ids, attention_mask, emb_weight):
    del attention_mask
    batch, seq = input_ids.shape
    vocab = emb_weight.shape[0]
    total = batch * seq
    rows_per_worker = total // NUM_WORKERS
    n_chunks = rows_per_worker // CHUNK

    flat_ids = input_ids.reshape(total).astype(jnp.int32)

    table = emb_weight

    mesh = plsc.VectorSubcoreMesh(core_axis_name="c", subcore_axis_name="s")
    out2d = pl.kernel(
        functools.partial(_gather_body, rows_per_worker=rows_per_worker,
                          n_chunks=n_chunks),
        out_type=jax.ShapeDtypeStruct((total, 128), jnp.float32),
        mesh=mesh,
        scratch_types=(
            [pltpu.VMEM((CHUNK,), jnp.int32)] * NBUF
            + [pltpu.VMEM((CHUNK, HIDDEN), jnp.float32)] * NBUF
            + [pltpu.SemaphoreType.DMA] * (2 * NBUF)
        ),
        compiler_params=pltpu.CompilerParams(use_tc_tiling_on_sc=False),
    )(flat_ids, table)

    return out2d.reshape(batch, seq, 128)[:, :, :HIDDEN]

# --- scband reference (transcript-rebuilt; emitter-appended) ---
"""Pipeline reference for scband-tiny-hfencoder-88751204204688 (READ-ONLY COPY).

The authoritative reference and input builder live on the scoring server;
editing this copy changes nothing except your own understanding.
"""

import jax, jax.numpy as jnp
import numpy as np

VOCAB = 1000000
HIDDEN = 16
BATCH = 4096
SEQ = 200

def setup_inputs(seed: int = 0) -> dict:
    key = jax.random.key(seed)
    k_ids, k_emb = jax.random.split(key)
    input_ids = jax.random.randint(k_ids, (BATCH, SEQ), 0, VOCAB, dtype=jnp.int64 if jax.config.jax_enable_x64 else jnp.int32)
    attention_mask = jnp.ones((BATCH, SEQ), dtype=input_ids.dtype)
    emb_weight = jax.random.normal(k_emb, (VOCAB, HIDDEN), dtype=jnp.float32)
    return {"input_ids": input_ids, "attention_mask": attention_mask, "emb_weight": emb_weight}

def reference(input_ids, attention_mask, emb_weight):
    # attention_mask is ignored by the original module (del attention_mask)
    last_hidden_state = jnp.take(emb_weight, input_ids, axis=0)
    return last_hidden_state

if __name__ == "__main__":
    import jax
    _d = setup_inputs()
    print(jax.jit(kernel)(*tuple(_d.values())))

</pallas_src>

<mosaic_0001>
#map = affine_map<(d0, d1) -> (0)>
#map1 = affine_map<(d0, d1) -> (0, 0)>
module attributes {stable_mosaic.version = 14 : i64} {
  func.func @_gather_body(%arg0: i32, %arg1: i32, %arg2: memref<819200xi32, #tpu.memory_space<hbm>>, %arg3: memref<1000000x16xf32, #tpu.memory_space<hbm>>, %arg4: memref<819200x128xf32, #tpu.memory_space<hbm>>, %arg5: memref<1600xi32, #tpu.memory_space<vmem>>, %arg6: memref<1600xi32, #tpu.memory_space<vmem>>, %arg7: memref<1600xi32, #tpu.memory_space<vmem>>, %arg8: memref<1600x16xf32, #tpu.memory_space<vmem>>, %arg9: memref<1600x16xf32, #tpu.memory_space<vmem>>, %arg10: memref<1600x16xf32, #tpu.memory_space<vmem>>, %arg11: memref<!tpu.dma_semaphore, #tpu.memory_space<semaphore_mem>>, %arg12: memref<!tpu.dma_semaphore, #tpu.memory_space<semaphore_mem>>, %arg13: memref<!tpu.dma_semaphore, #tpu.memory_space<semaphore_mem>>, %arg14: memref<!tpu.dma_semaphore, #tpu.memory_space<semaphore_mem>>, %arg15: memref<!tpu.dma_semaphore, #tpu.memory_space<semaphore_mem>>, %arg16: memref<!tpu.dma_semaphore, #tpu.memory_space<semaphore_mem>>) attributes {dimension_semantics = [#tpu.dimension_semantics<core_parallel>, #tpu.dimension_semantics<subcore_parallel>], iteration_bounds = array<i64: 2, 16>, scalar_prefetch = 0 : i64, scratch_operands = 12 : i64, tpu.core_type = #tpu.core_type<sc_vector_subcore>, window_params = [{transform_indices = #map}, {transform_indices = #map1}, {transform_indices = #map1}]} {
    %mul3A = arith.constant 2 : i32
    %mul3A_0 = arith.muli %arg1, %mul3A : i32
    %add3A = arith.addi %mul3A_0, %arg0 : i32
    %mul3A_1 = arith.constant 25600 : i32
    %mul3A_2 = arith.muli %add3A, %mul3A_1 : i32
    %add3A_3 = arith.constant 0 : i32
    %add3A_4 = arith.addi %mul3A_2, %add3A_3 : i32
    "tpu.region"() ({
      %run_scoped3A = tpu.sem_alloc : memref<!tpu.dma_semaphore, #tpu.memory_space<semaphore_mem>>
      %dma_start3A_257 = tpu.memref_slice %arg2[%add3A_4] : memref<819200xi32, #tpu.memory_space<hbm>> -> memref<1600xi32, #tpu.memory_space<hbm>>
      %dma_start3A_258 = tpu.memref_slice %arg2[%add3A_4] : memref<819200xi32, #tpu.memory_space<hbm>> -> memref<1600xi32, #tpu.memory_space<hbm>>
      tpu.enqueue_dma source(%dma_start3A_258 : memref<1600xi32, #tpu.memory_space<hbm>>) target(%arg5 : memref<1600xi32, #tpu.memory_space<vmem>>) target_semaphore(%run_scoped3A : memref<!tpu.dma_semaphore, #tpu.memory_space<semaphore_mem>>)
      %dma_wait3A_259 = tpu.memref_slice %arg2[%add3A_4] : memref<819200xi32, #tpu.memory_space<hbm>> -> memref<1600xi32, #tpu.memory_space<hbm>>
      %dma_wait3A_260 = tpu.memref_slice %arg2[%add3A_4] : memref<819200xi32, #tpu.memory_space<hbm>> -> memref<1600xi32, #tpu.memory_space<hbm>>
      tpu.wait_dma2 semaphore(%run_scoped3A : memref<!tpu.dma_semaphore, #tpu.memory_space<semaphore_mem>>) src(%dma_wait3A_260 : memref<1600xi32, #tpu.memory_space<hbm>>) dst(%arg5 : memref<1600xi32, #tpu.memory_space<vmem>>)
      tpu.yield
    }) : () -> ()
    %dma_start3A = arith.constant 0 : i32
    %dma_start3A_5 = arith.constant 0 : i32
    %dma_start3A_6 = tpu.memref_slice %arg3[%dma_start3A, %dma_start3A_5] : memref<1000000x16xf32, #tpu.memory_space<hbm>> -> memref<1000000x16xf32, #tpu.memory_space<hbm>>
    tpu.enqueue_indirect_dma source(%dma_start3A_6 : memref<1000000x16xf32, #tpu.memory_space<hbm>>) target(%arg8 : memref<1600x16xf32, #tpu.memory_space<vmem>>) offsets(%arg5 : memref<1600xi32, #tpu.memory_space<vmem>>) semaphore(%arg11 : memref<!tpu.dma_semaphore, #tpu.memory_space<semaphore_mem>>)
    %add3A_7 = arith.constant 1600 : i32
    %add3A_8 = arith.addi %mul3A_2, %add3A_7 : i32
    "tpu.region"() ({
      %run_scoped3A = tpu.sem_alloc : memref<!tpu.dma_semaphore, #tpu.memory_space<semaphore_mem>>
      %dma_start3A_257 = tpu.memref_slice %arg2[%add3A_8] : memref<819200xi32, #tpu.memory_space<hbm>> -> memref<1600xi32, #tpu.memory_space<hbm>>
      %dma_start3A_258 = tpu.memref_slice %arg2[%add3A_8] : memref<819200xi32, #tpu.memory_space<hbm>> -> memref<1600xi32, #tpu.memory_space<hbm>>
      tpu.enqueue_dma source(%dma_start3A_258 : memref<1600xi32, #tpu.memory_space<hbm>>) target(%arg6 : memref<1600xi32, #tpu.memory_space<vmem>>) target_semaphore(%run_scoped3A : memref<!tpu.dma_semaphore, #tpu.memory_space<semaphore_mem>>)
      %dma_wait3A_259 = tpu.memref_slice %arg2[%add3A_8] : memref<819200xi32, #tpu.memory_space<hbm>> -> memref<1600xi32, #tpu.memory_space<hbm>>
      %dma_wait3A_260 = tpu.memref_slice %arg2[%add3A_8] : memref<819200xi32, #tpu.memory_space<hbm>> -> memref<1600xi32, #tpu.memory_space<hbm>>
      tpu.wait_dma2 semaphore(%run_scoped3A : memref<!tpu.dma_semaphore, #tpu.memory_space<semaphore_mem>>) src(%dma_wait3A_260 : memref<1600xi32, #tpu.memory_space<hbm>>) dst(%arg6 : memref<1600xi32, #tpu.memory_space<vmem>>)
      tpu.yield
    }) : () -> ()
    %dma_start3A_9 = arith.constant 0 : i32
    %dma_start3A_10 = arith.constant 0 : i32
    %dma_start3A_11 = tpu.memref_slice %arg3[%dma_start3A_9, %dma_start3A_10] : memref<1000000x16xf32, #tpu.memory_space<hbm>> -> memref<1000000x16xf32, #tpu.memory_space<hbm>>
    tpu.enqueue_indirect_dma source(%dma_start3A_11 : memref<1000000x16xf32, #tpu.memory_space<hbm>>) target(%arg9 : memref<1600x16xf32, #tpu.memory_space<vmem>>) offsets(%arg6 : memref<1600xi32, #tpu.memory_space<vmem>>) semaphore(%arg12 : memref<!tpu.dma_semaphore, #tpu.memory_space<semaphore_mem>>)
    %dma_wait3A = arith.constant 0 : i32
    %dma_wait3A_12 = arith.constant 0 : i32
    %dma_wait3A_13 = tpu.memref_slice %arg3[%dma_wait3A, %dma_wait3A_12] : memref<1000000x16xf32, #tpu.memory_space<hbm>> -> memref<1000000x16xf32, #tpu.memory_space<hbm>>
    tpu.wait_indirect_dma semaphore(%arg11 : memref<!tpu.dma_semaphore, #tpu.memory_space<semaphore_mem>>) src(%dma_wait3A_13 : memref<1000000x16xf32, #tpu.memory_space<hbm>>) dst(%arg8 : memref<1600x16xf32, #tpu.memory_space<vmem>>)
    %dma_start3A_14 = arith.constant 0 : i32
    %dma_start3A_15 = tpu.memref_slice %arg4[%add3A_4, %dma_start3A_14] : memref<819200x128xf32, #tpu.memory_space<hbm>> -> memref<1600x16xf32, #tpu.memory_space<hbm>>
    %dma_start3A_16 = arith.constant 0 : i32
    %dma_start3A_17 = tpu.memref_slice %arg4[%add3A_4, %dma_start3A_16] : memref<819200x128xf32, #tpu.memory_space<hbm>> -> memref<1600x16xf32, #tpu.memory_space<hbm>>
    tpu.enqueue_dma source(%arg8 : memref<1600x16xf32, #tpu.memory_space<vmem>>) target(%dma_start3A_17 : memref<1600x16xf32, #tpu.memory_space<hbm>>) target_semaphore(%arg14 : memref<!tpu.dma_semaphore, #tpu.memory_space<semaphore_mem>>)
    %add3A_18 = arith.constant 3200 : i32
    %add3A_19 = arith.addi %mul3A_2, %add3A_18 : i32
    "tpu.region"() ({
      %run_scoped3A = tpu.sem_alloc : memref<!tpu.dma_semaphore, #tpu.memory_space<semaphore_mem>>
      %dma_start3A_257 = tpu.memref_slice %arg2[%add3A_19] : memref<819200xi32, #tpu.memory_space<hbm>> -> memref<1600xi32, #tpu.memory_space<hbm>>
      %dma_start3A_258 = tpu.memref_slice %arg2[%add3A_19] : memref<819200xi32, #tpu.memory_space<hbm>> -> memref<1600xi32, #tpu.memory_space<hbm>>
      tpu.enqueue_dma source(%dma_start3A_258 : memref<1600xi32, #tpu.memory_space<hbm>>) target(%arg7 : memref<1600xi32, #tpu.memory_space<vmem>>) target_semaphore(%run_scoped3A : memref<!tpu.dma_semaphore, #tpu.memory_space<semaphore_mem>>)
      %dma_wait3A_259 = tpu.memref_slice %arg2[%add3A_19] : memref<819200xi32, #tpu.memory_space<hbm>> -> memref<1600xi32, #tpu.memory_space<hbm>>
      %dma_wait3A_260 = tpu.memref_slice %arg2[%add3A_19] : memref<819200xi32, #tpu.memory_space<hbm>> -> memref<1600xi32, #tpu.memory_space<hbm>>
      tpu.wait_dma2 semaphore(%run_scoped3A : memref<!tpu.dma_semaphore, #tpu.memory_space<semaphore_mem>>) src(%dma_wait3A_260 : memref<1600xi32, #tpu.memory_space<hbm>>) dst(%arg7 : memref<1600xi32, #tpu.memory_space<vmem>>)
      tpu.yield
    }) : () -> ()
    %dma_start3A_20 = arith.constant 0 : i32
    %dma_start3A_21 = arith.constant 0 : i32
    %dma_start3A_22 = tpu.memref_slice %arg3[%dma_start3A_20, %dma_start3A_21] : memref<1000000x16xf32, #tpu.memory_space<hbm>> -> memref<1000000x16xf32, #tpu.memory_space<hbm>>
    tpu.enqueue_indirect_dma source(%dma_start3A_22 : memref<1000000x16xf32, #tpu.memory_space<hbm>>) target(%arg10 : memref<1600x16xf32, #tpu.memory_space<vmem>>) offsets(%arg7 : memref<1600xi32, #tpu.memory_space<vmem>>) semaphore(%arg13 : memref<!tpu.dma_semaphore, #tpu.memory_space<semaphore_mem>>)
    %dma_wait3A_23 = arith.constant 0 : i32
    %dma_wait3A_24 = arith.constant 0 : i32
    %dma_wait3A_25 = tpu.memref_slice %arg3[%dma_wait3A_23, %dma_wait3A_24] : memref<1000000x16xf32, #tpu.memory_space<hbm>> -> memref<1000000x16xf32, #tpu.memory_space<hbm>>
    tpu.wait_indirect_dma semaphore(%arg12 : memref<!tpu.dma_semaphore, #tpu.memory_space<semaphore_mem>>) src(%dma_wait3A_25 : memref<1000000x16xf32, #tpu.memory_space<hbm>>) dst(%arg9 : memref<1600x16xf32, #tpu.memory_space<vmem>>)
    %dma_start3A_26 = arith.constant 0 : i32
    %dma_start3A_27 = tpu.memref_slice %arg4[%add3A_8, %dma_start3A_26] : memref<819200x128xf32, #tpu.memory_space<hbm>> -> memref<1600x16xf32, #tpu.memory_space<hbm>>
    %dma_start3A_28 = arith.constant 0 : i32
    %dma_start3A_29 = tpu.memref_slice %arg4[%add3A_8, %dma_start3A_28] : memref<819200x128xf32, #tpu.memory_space<hbm>> -> memref<1600x16xf32, #tpu.memory_space<hbm>>
    tpu.enqueue_dma source(%arg9 : memref<1600x16xf32, #tpu.memory_space<vmem>>) target(%dma_start3A_29 : memref<1600x16xf32, #tpu.memory_space<hbm>>) target_semaphore(%arg15 : memref<!tpu.dma_semaphore, #tpu.memory_space<semaphore_mem>>)
    %add3A_30 = arith.constant 4800 : i32
    %add3A_31 = arith.addi %mul3A_2, %add3A_30 : i32
    %dma_wait3A_32 = arith.constant 0 : i32
    %dma_wait3A_33 = tpu.memref_slice %arg4[%add3A_4, %dma_wait3A_32] : memref<819200x128xf32, #tpu.memory_space<hbm>> -> memref<1600x16xf32, #tpu.memory_space<hbm>>
    %dma_wait3A_34 = arith.constant 0 : i32
    %dma_wait3A_35 = tpu.memref_slice %arg4[%add3A_4, %dma_wait3A_34] : memref<819200x128xf32, #tpu.memory_space<hbm>> -> memref<1600x16xf32, #tpu.memory_space<hbm>>
    tpu.wait_dma2 semaphore(%arg14 : memref<!tpu.dma_semaphore, #tpu.memory_space<semaphore_mem>>) src(%arg8 : memref<1600x16xf32, #tpu.memory_space<vmem>>) dst(%dma_wait3A_35 : memref<1600x16xf32, #tpu.memory_space<hbm>>)
    "tpu.region"() ({
      %run_scoped3A = tpu.sem_alloc : memref<!tpu.dma_semaphore, #tpu.memory_space<semaphore_mem>>
      %dma_start3A_257 = tpu.memref_slice %arg2[%add3A_31] : memref<819200xi32, #tpu.memory_space<hbm>> -> memref<1600xi32, #tpu.memory_space<hbm>>
      %dma_start3A_258 = tpu.memref_slice %arg2[%add3A_31] : memref<819200xi32, #tpu.memory_space<hbm>> -> memref<1600xi32, #tpu.memory_space<hbm>>
      tpu.enqueue_dma source(%dma_start3A_258 : memref<1600xi32, #tpu.memory_space<hbm>>) target(%arg5 : memref<1600xi32, #tpu.memory_space<vmem>>) target_semaphore(%run_scoped3A : memref<!tpu.dma_semaphore, #tpu.memory_space<semaphore_mem>>)
      %dma_wait3A_259 = tpu.memref_slice %arg2[%add3A_31] : memref<819200xi32, #tpu.memory_space<hbm>> -> memref<1600xi32, #tpu.memory_space<hbm>>
      %dma_wait3A_260 = tpu.memref_slice %arg2[%add3A_31] : memref<819200xi32, #tpu.memory_space<hbm>> -> memref<1600xi32, #tpu.memory_space<hbm>>
      tpu.wait_dma2 semaphore(%run_scoped3A : memref<!tpu.dma_semaphore, #tpu.memory_space<semaphore_mem>>) src(%dma_wait3A_260 : memref<1600xi32, #tpu.memory_space<hbm>>) dst(%arg5 : memref<1600xi32, #tpu.memory_space<vmem>>)
      tpu.yield
    }) : () -> ()
    %dma_start3A_36 = arith.constant 0 : i32
    %dma_start3A_37 = arith.constant 0 : i32
    %dma_start3A_38 = tpu.memref_slice %arg3[%dma_start3A_36, %dma_start3A_37] : memref<1000000x16xf32, #tpu.memory_space<hbm>> -> memref<1000000x16xf32, #tpu.memory_space<hbm>>
    tpu.enqueue_indirect_dma source(%dma_start3A_38 : memref<1000000x16xf32, #tpu.memory_space<hbm>>) target(%arg8 : memref<1600x16xf32, #tpu.memory_space<vmem>>) offsets(%arg5 : memref<1600xi32, #tpu.memory_space<vmem>>) semaphore(%arg11 : memref<!tpu.dma_semaphore, #tpu.memory_space<semaphore_mem>>)
    %dma_wait3A_39 = arith.constant 0 : i32
    %dma_wait3A_40 = arith.constant 0 : i32
    %dma_wait3A_41 = tpu.memref_slice %arg3[%dma_wait3A_39, %dma_wait3A_40] : memref<1000000x16xf32, #tpu.memory_space<hbm>> -> memref<1000000x16xf32, #tpu.memory_space<hbm>>
    tpu.wait_indirect_dma semaphore(%arg13 : memref<!tpu.dma_semaphore, #tpu.memory_space<semaphore_mem>>) src(%dma_wait3A_41 : memref<1000000x16xf32, #tpu.memory_space<hbm>>) dst(%arg10 : memref<1600x16xf32, #tpu.memory_space<vmem>>)
    %dma_start3A_42 = arith.constant 0 : i32
    %dma_start3A_43 = tpu.memref_slice %arg4[%add3A_19, %dma_start3A_42] : memref<819200x128xf32, #tpu.memory_space<hbm>> -> memref<1600x16xf32, #tpu.memory_space<hbm>>
    %dma_start3A_44 = arith.constant 0 : i32
    %dma_start3A_45 = tpu.memref_slice %arg4[%add3A_19, %dma_start3A_44] : memref<819200x128xf32, #tpu.memory_space<hbm>> -> memref<1600x16xf32, #tpu.memory_space<hbm>>
    tpu.enqueue_dma source(%arg10 : memref<1600x16xf32, #tpu.memory_space<vmem>>) target(%dma_start3A_45 : memref<1600x16xf32, #tpu.memory_space<hbm>>) target_semaphore(%arg16 : memref<!tpu.dma_semaphore, #tpu.memory_space<semaphore_mem>>)
    %add3A_46 = arith.constant 6400 : i32
    %add3A_47 = arith.addi %mul3A_2, %add3A_46 : i32
    %dma_wait3A_48 = arith.constant 0 : i32
    %dma_wait3A_49 = tpu.memref_slice %arg4[%add3A_8, %dma_wait3A_48] : memref<819200x128xf32, #tpu.memory_space<hbm>> -> memref<1600x16xf32, #tpu.memory_space<hbm>>
    %dma_wait3A_50 = arith.constant 0 : i32
    %dma_wait3A_51 = tpu.memref_slice %arg4[%add3A_8, %dma_wait3A_50] : memref<819200x128xf32, #tpu.memory_space<hbm>> -> memref<1600x16xf32, #tpu.memory_space<hbm>>
    tpu.wait_dma2 semaphore(%arg15 : memref<!tpu.dma_semaphore, #tpu.memory_space<semaphore_mem>>) src(%arg9 : memref<1600x16xf32, #tpu.memory_space<vmem>>) dst(%dma_wait3A_51 : memref<1600x16xf32, #tpu.memory_space<hbm>>)
    "tpu.region"() ({
      %run_scoped3A = tpu.sem_alloc : memref<!tpu.dma_semaphore, #tpu.memory_space<semaphore_mem>>
      %dma_start3A_257 = tpu.memref_slice %arg2[%add3A_47] : memref<819200xi32, #tpu.memory_space<hbm>> -> memref<1600xi32, #tpu.memory_space<hbm>>
      %dma_start3A_258 = tpu.memref_slice %arg2[%add3A_47] : memref<819200xi32, #tpu.memory_space<hbm>> -> memref<1600xi32, #tpu.memory_space<hbm>>
      tpu.enqueue_dma source(%dma_start3A_258 : memref<1600xi32, #tpu.memory_space<hbm>>) target(%arg6 : memref<1600xi32, #tpu.memory_space<vmem>>) target_semaphore(%run_scoped3A : memref<!tpu.dma_semaphore, #tpu.memory_space<semaphore_mem>>)
      %dma_wait3A_259 = tpu.memref_slice %arg2[%add3A_47] : memref<819200xi32, #tpu.memory_space<hbm>> -> memref<1600xi32, #tpu.memory_space<hbm>>
      %dma_wait3A_260 = tpu.memref_slice %arg2[%add3A_47] : memref<819200xi32, #tpu.memory_space<hbm>> -> memref<1600xi32, #tpu.memory_space<hbm>>
      tpu.wait_dma2 semaphore(%run_scoped3A : memref<!tpu.dma_semaphore, #tpu.memory_space<semaphore_mem>>) src(%dma_wait3A_260 : memref<1600xi32, #tpu.memory_space<hbm>>) dst(%arg6 : memref<1600xi32, #tpu.memory_space<vmem>>)
      tpu.yield
    }) : () -> ()
    %dma_start3A_52 = arith.constant 0 : i32
    %dma_start3A_53 = arith.constant 0 : i32
    %dma_start3A_54 = tpu.memref_slice %arg3[%dma_start3A_52, %dma_start3A_53] : memref<1000000x16xf32, #tpu.memory_space<hbm>> -> memref<1000000x16xf32, #tpu.memory_space<hbm>>
    tpu.enqueue_indirect_dma source(%dma_start3A_54 : memref<1000000x16xf32, #tpu.memory_space<hbm>>) target(%arg9 : memref<1600x16xf32, #tpu.memory_space<vmem>>) offsets(%arg6 : memref<1600xi32, #tpu.memory_space<vmem>>) semaphore(%arg12 : memref<!tpu.dma_semaphore, #tpu.memory_space<semaphore_mem>>)
    %dma_wait3A_55 = arith.constant 0 : i32
    %dma_wait3A_56 = arith.constant 0 : i32
    %dma_wait3A_57 = tpu.memref_slice %arg3[%dma_wait3A_55, %dma_wait3A_56] : memref<1000000x16xf32, #tpu.memory_space<hbm>> -> memref<1000000x16xf32, #tpu.memory_space<hbm>>
    tpu.wait_indirect_dma semaphore(%arg11 : memref<!tpu.dma_semaphore, #tpu.memory_space<semaphore_mem>>) src(%dma_wait3A_57 : memref<1000000x16xf32, #tpu.memory_space<hbm>>) dst(%arg8 : memref<1600x16xf32, #tpu.memory_space<vmem>>)
    %dma_start3A_58 = arith.constant 0 : i32
    %dma_start3A_59 = tpu.memref_slice %arg4[%add3A_31, %dma_start3A_58] : memref<819200x128xf32, #tpu.memory_space<hbm>> -> memref<1600x16xf32, #tpu.memory_space<hbm>>
    %dma_start3A_60 = arith.constant 0 : i32
    %dma_start3A_61 = tpu.memref_slice %arg4[%add3A_31, %dma_start3A_60] : memref<819200x128xf32, #tpu.memory_space<hbm>> -> memref<1600x16xf32, #tpu.memory_space<hbm>>
    tpu.enqueue_dma source(%arg8 : memref<1600x16xf32, #tpu.memory_space<vmem>>) target(%dma_start3A_61 : memref<1600x16xf32, #tpu.memory_space<hbm>>) target_semaphore(%arg14 : memref<!tpu.dma_semaphore, #tpu.memory_space<semaphore_mem>>)
    %add3A_62 = arith.constant 8000 : i32
    %add3A_63 = arith.addi %mul3A_2, %add3A_62 : i32
    %dma_wait3A_64 = arith.constant 0 : i32
    %dma_wait3A_65 = tpu.memref_slice %arg4[%add3A_19, %dma_wait3A_64] : memref<819200x128xf32, #tpu.memory_space<hbm>> -> memref<1600x16xf32, #tpu.memory_space<hbm>>
    %dma_wait3A_66 = arith.constant 0 : i32
    %dma_wait3A_67 = tpu.memref_slice %arg4[%add3A_19, %dma_wait3A_66] : memref<819200x128xf32, #tpu.memory_space<hbm>> -> memref<1600x16xf32, #tpu.memory_space<hbm>>
    tpu.wait_dma2 semaphore(%arg16 : memref<!tpu.dma_semaphore, #tpu.memory_space<semaphore_mem>>) src(%arg10 : memref<1600x16xf32, #tpu.memory_space<vmem>>) dst(%dma_wait3A_67 : memref<1600x16xf32, #tpu.memory_space<hbm>>)
    "tpu.region"() ({
      %run_scoped3A = tpu.sem_alloc : memref<!tpu.dma_semaphore, #tpu.memory_space<semaphore_mem>>
      %dma_start3A_257 = tpu.memref_slice %arg2[%add3A_63] : memref<819200xi32, #tpu.memory_space<hbm>> -> memref<1600xi32, #tpu.memory_space<hbm>>
      %dma_start3A_258 = tpu.memref_slice %arg2[%add3A_63] : memref<819200xi32, #tpu.memory_space<hbm>> -> memref<1600xi32, #tpu.memory_space<hbm>>
      tpu.enqueue_dma source(%dma_start3A_258 : memref<1600xi32, #tpu.memory_space<hbm>>) target(%arg7 : memref<1600xi32, #tpu.memory_space<vmem>>) target_semaphore(%run_scoped3A : memref<!tpu.dma_semaphore, #tpu.memory_space<semaphore_mem>>)
      %dma_wait3A_259 = tpu.memref_slice %arg2[%add3A_63] : memref<819200xi32, #tpu.memory_space<hbm>> -> memref<1600xi32, #tpu.memory_space<hbm>>
      %dma_wait3A_260 = tpu.memref_slice %arg2[%add3A_63] : memref<819200xi32, #tpu.memory_space<hbm>> -> memref<1600xi32, #tpu.memory_space<hbm>>
      tpu.wait_dma2 semaphore(%run_scoped3A : memref<!tpu.dma_semaphore, #tpu.memory_space<semaphore_mem>>) src(%dma_wait3A_260 : memref<1600xi32, #tpu.memory_space<hbm>>) dst(%arg7 : memref<1600xi32, #tpu.memory_space<vmem>>)
      tpu.yield
    }) : () -> ()
    %dma_start3A_68 = arith.constant 0 : i32
    %dma_start3A_69 = arith.constant 0 : i32
    %dma_start3A_70 = tpu.memref_slice %arg3[%dma_start3A_68, %dma_start3A_69] : memref<1000000x16xf32, #tpu.memory_space<hbm>> -> memref<1000000x16xf32, #tpu.memory_space<hbm>>
    tpu.enqueue_indirect_dma source(%dma_start3A_70 : memref<1000000x16xf32, #tpu.memory_space<hbm>>) target(%arg10 : memref<1600x16xf32, #tpu.memory_space<vmem>>) offsets(%arg7 : memref<1600xi32, #tpu.memory_space<vmem>>) semaphore(%arg13 : memref<!tpu.dma_semaphore, #tpu.memory_space<semaphore_mem>>)
    %dma_wait3A_71 = arith.constant 0 : i32
    %dma_wait3A_72 = arith.constant 0 : i32
    %dma_wait3A_73 = tpu.memref_slice %arg3[%dma_wait3A_71, %dma_wait3A_72] : memref<1000000x16xf32, #tpu.memory_space<hbm>> -> memref<1000000x16xf32, #tpu.memory_space<hbm>>
    tpu.wait_indirect_dma semaphore(%arg12 : memref<!tpu.dma_semaphore, #tpu.memory_space<semaphore_mem>>) src(%dma_wait3A_73 : memref<1000000x16xf32, #tpu.memory_space<hbm>>) dst(%arg9 : memref<1600x16xf32, #tpu.memory_space<vmem>>)
    %dma_start3A_74 = arith.constant 0 : i32
    %dma_start3A_75 = tpu.memref_slice %arg4[%add3A_47, %dma_start3A_74] : memref<819200x128xf32, #tpu.memory_space<hbm>> -> memref<1600x16xf32, #tpu.memory_space<hbm>>
    %dma_start3A_76 = arith.constant 0 : i32
    %dma_start3A_77 = tpu.memref_slice %arg4[%add3A_47, %dma_start3A_76] : memref<819200x128xf32, #tpu.memory_space<hbm>> -> memref<1600x16xf32, #tpu.memory_space<hbm>>
    tpu.enqueue_dma source(%arg9 : memref<1600x16xf32, #tpu.memory_space<vmem>>) target(%dma_start3A_77 : memref<1600x16xf32, #tpu.memory_space<hbm>>) target_semaphore(%arg15 : memref<!tpu.dma_semaphore, #tpu.memory_space<semaphore_mem>>)
    %add3A_78 = arith.constant 9600 : i32
    %add3A_79 = arith.addi %mul3A_2, %add3A_78 : i32
    %dma_wait3A_80 = arith.constant 0 : i32
    %dma_wait3A_81 = tpu.memref_slice %arg4[%add3A_31, %dma_wait3A_80] : memref<819200x128xf32, #tpu.memory_space<hbm>> -> memref<1600x16xf32, #tpu.memory_space<hbm>>
    %dma_wait3A_82 = arith.constant 0 : i32
    %dma_wait3A_83 = tpu.memref_slice %arg4[%add3A_31, %dma_wait3A_82] : memref<819200x128xf32, #tpu.memory_space<hbm>> -> memref<1600x16xf32, #tpu.memory_space<hbm>>
    tpu.wait_dma2 semaphore(%arg14 : memref<!tpu.dma_semaphore, #tpu.memory_space<semaphore_mem>>) src(%arg8 : memref<1600x16xf32, #tpu.memory_space<vmem>>) dst(%dma_wait3A_83 : memref<1600x16xf32, #tpu.memory_space<hbm>>)
    "tpu.region"() ({
      %run_scoped3A = tpu.sem_alloc : memref<!tpu.dma_semaphore, #tpu.memory_space<semaphore_mem>>
      %dma_start3A_257 = tpu.memref_slice %arg2[%add3A_79] : memref<819200xi32, #tpu.memory_space<hbm>> -> memref<1600xi32, #tpu.memory_space<hbm>>
      %dma_start3A_258 = tpu.memref_slice %arg2[%add3A_79] : memref<819200xi32, #tpu.memory_space<hbm>> -> memref<1600xi32, #tpu.memory_space<hbm>>
      tpu.enqueue_dma source(%dma_start3A_258 : memref<1600xi32, #tpu.memory_space<hbm>>) target(%arg5 : memref<1600xi32, #tpu.memory_space<vmem>>) target_semaphore(%run_scoped3A : memref<!tpu.dma_semaphore, #tpu.memory_space<semaphore_mem>>)
      %dma_wait3A_259 = tpu.memref_slice %arg2[%add3A_79] : memref<819200xi32, #tpu.memory_space<hbm>> -> memref<1600xi32, #tpu.memory_space<hbm>>
      %dma_wait3A_260 = tpu.memref_slice %arg2[%add3A_79] : memref<819200xi32, #tpu.memory_space<hbm>> -> memref<1600xi32, #tpu.memory_space<hbm>>
      tpu.wait_dma2 semaphore(%run_scoped3A : memref<!tpu.dma_semaphore, #tpu.memory_space<semaphore_mem>>) src(%dma_wait3A_260 : memref<1600xi32, #tpu.memory_space<hbm>>) dst(%arg5 : memref<1600xi32, #tpu.memory_space<vmem>>)
      tpu.yield
    }) : () -> ()
    %dma_start3A_84 = arith.constant 0 : i32
    %dma_start3A_85 = arith.constant 0 : i32
    %dma_start3A_86 = tpu.memref_slice %arg3[%dma_start3A_84, %dma_start3A_85] : memref<1000000x16xf32, #tpu.memory_space<hbm>> -> memref<1000000x16xf32, #tpu.memory_space<hbm>>
    tpu.enqueue_indirect_dma source(%dma_start3A_86 : memref<1000000x16xf32, #tpu.memory_space<hbm>>) target(%arg8 : memref<1600x16xf32, #tpu.memory_space<vmem>>) offsets(%arg5 : memref<1600xi32, #tpu.memory_space<vmem>>) semaphore(%arg11 : memref<!tpu.dma_semaphore, #tpu.memory_space<semaphore_mem>>)
    %dma_wait3A_87 = arith.constant 0 : i32
    %dma_wait3A_88 = arith.constant 0 : i32
    %dma_wait3A_89 = tpu.memref_slice %arg3[%dma_wait3A_87, %dma_wait3A_88] : memref<1000000x16xf32, #tpu.memory_space<hbm>> -> memref<1000000x16xf32, #tpu.memory_space<hbm>>
    tpu.wait_indirect_dma semaphore(%arg13 : memref<!tpu.dma_semaphore, #tpu.memory_space<semaphore_mem>>) src(%dma_wait3A_89 : memref<1000000x16xf32, #tpu.memory_space<hbm>>) dst(%arg10 : memref<1600x16xf32, #tpu.memory_space<vmem>>)
    %dma_start3A_90 = arith.constant 0 : i32
    %dma_start3A_91 = tpu.memref_slice %arg4[%add3A_63, %dma_start3A_90] : memref<819200x128xf32, #tpu.memory_space<hbm>> -> memref<1600x16xf32, #tpu.memory_space<hbm>>
    %dma_start3A_92 = arith.constant 0 : i32
    %dma_start3A_93 = tpu.memref_slice %arg4[%add3A_63, %dma_start3A_92] : memref<819200x128xf32, #tpu.memory_space<hbm>> -> memref<1600x16xf32, #tpu.memory_space<hbm>>
    tpu.enqueue_dma source(%arg10 : memref<1600x16xf32, #tpu.memory_space<vmem>>) target(%dma_start3A_93 : memref<1600x16xf32, #tpu.memory_space<hbm>>) target_semaphore(%arg16 : memref<!tpu.dma_semaphore, #tpu.memory_space<semaphore_mem>>)
    %add3A_94 = arith.constant 11200 : i32
    %add3A_95 = arith.addi %mul3A_2, %add3A_94 : i32
    %dma_wait3A_96 = arith.constant 0 : i32
    %dma_wait3A_97 = tpu.memref_slice %arg4[%add3A_47, %dma_wait3A_96] : memref<819200x128xf32, #tpu.memory_space<hbm>> -> memref<1600x16xf32, #tpu.memory_space<hbm>>
    %dma_wait3A_98 = arith.constant 0 : i32
    %dma_wait3A_99 = tpu.memref_slice %arg4[%add3A_47, %dma_wait3A_98] : memref<819200x128xf32, #tpu.memory_space<hbm>> -> memref<1600x16xf32, #tpu.memory_space<hbm>>
    tpu.wait_dma2 semaphore(%arg15 : memref<!tpu.dma_semaphore, #tpu.memory_space<semaphore_mem>>) src(%arg9 : memref<1600x16xf32, #tpu.memory_space<vmem>>) dst(%dma_wait3A_99 : memref<1600x16xf32, #tpu.memory_space<hbm>>)
    "tpu.region"() ({
      %run_scoped3A = tpu.sem_alloc : memref<!tpu.dma_semaphore, #tpu.memory_space<semaphore_mem>>
      %dma_start3A_257 = tpu.memref_slice %arg2[%add3A_95] : memref<819200xi32, #tpu.memory_space<hbm>> -> memref<1600xi32, #tpu.memory_space<hbm>>
      %dma_start3A_258 = tpu.memref_slice %arg2[%add3A_95] : memref<819200xi32, #tpu.memory_space<hbm>> -> memref<1600xi32, #tpu.memory_space<hbm>>
      tpu.enqueue_dma source(%dma_start3A_258 : memref<1600xi32, #tpu.memory_space<hbm>>) target(%arg6 : memref<1600xi32, #tpu.memory_space<vmem>>) target_semaphore(%run_scoped3A : memref<!tpu.dma_semaphore, #tpu.memory_space<semaphore_mem>>)
      %dma_wait3A_259 = tpu.memref_slice %arg2[%add3A_95] : memref<819200xi32, #tpu.memory_space<hbm>> -> memref<1600xi32, #tpu.memory_space<hbm>>
      %dma_wait3A_260 = tpu.memref_slice %arg2[%add3A_95] : memref<819200xi32, #tpu.memory_space<hbm>> -> memref<1600xi32, #tpu.memory_space<hbm>>
      tpu.wait_dma2 semaphore(%run_scoped3A : memref<!tpu.dma_semaphore, #tpu.memory_space<semaphore_mem>>) src(%dma_wait3A_260 : memref<1600xi32, #tpu.memory_space<hbm>>) dst(%arg6 : memref<1600xi32, #tpu.memory_space<vmem>>)
      tpu.yield
    }) : () -> ()
    %dma_start3A_100 = arith.constant 0 : i32
    %dma_start3A_101 = arith.constant 0 : i32
    %dma_start3A_102 = tpu.memref_slice %arg3[%dma_start3A_100, %dma_start3A_101] : memref<1000000x16xf32, #tpu.memory_space<hbm>> -> memref<1000000x16xf32, #tpu.memory_space<hbm>>
    tpu.enqueue_indirect_dma source(%dma_start3A_102 : memref<1000000x16xf32, #tpu.memory_space<hbm>>) target(%arg9 : memref<1600x16xf32, #tpu.memory_space<vmem>>) offsets(%arg6 : memref<1600xi32, #tpu.memory_space<vmem>>) semaphore(%arg12 : memref<!tpu.dma_semaphore, #tpu.memory_space<semaphore_mem>>)
    %dma_wait3A_103 = arith.constant 0 : i32
    %dma_wait3A_104 = arith.constant 0 : i32
    %dma_wait3A_105 = tpu.memref_slice %arg3[%dma_wait3A_103, %dma_wait3A_104] : memref<1000000x16xf32, #tpu.memory_space<hbm>> -> memref<1000000x16xf32, #tpu.memory_space<hbm>>
    tpu.wait_indirect_dma semaphore(%arg11 : memref<!tpu.dma_semaphore, #tpu.memory_space<semaphore_mem>>) src(%dma_wait3A_105 : memref<1000000x16xf32, #tpu.memory_space<hbm>>) dst(%arg8 : memref<1600x16xf32, #tpu.memory_space<vmem>>)
    %dma_start3A_106 = arith.constant 0 : i32
    %dma_start3A_107 = tpu.memref_slice %arg4[%add3A_79, %dma_start3A_106] : memref<819200x128xf32, #tpu.memory_space<hbm>> -> memref<1600x16xf32, #tpu.memory_space<hbm>>
    %dma_start3A_108 = arith.constant 0 : i32
    %dma_start3A_109 = tpu.memref_slice %arg4[%add3A_79, %dma_start3A_108] : memref<819200x128xf32, #tpu.memory_space<hbm>> -> memref<1600x16xf32, #tpu.memory_space<hbm>>
    tpu.enqueue_dma source(%arg8 : memref<1600x16xf32, #tpu.memory_space<vmem>>) target(%dma_start3A_109 : memref<1600x16xf32, #tpu.memory_space<hbm>>) target_semaphore(%arg14 : memref<!tpu.dma_semaphore, #tpu.memory_space<semaphore_mem>>)
    %add3A_110 = arith.constant 12800 : i32
    %add3A_111 = arith.addi %mul3A_2, %add3A_110 : i32
    %dma_wait3A_112 = arith.constant 0 : i32
    %dma_wait3A_113 = tpu.memref_slice %arg4[%add3A_63, %dma_wait3A_112] : memref<819200x128xf32, #tpu.memory_space<hbm>> -> memref<1600x16xf32, #tpu.memory_space<hbm>>
    %dma_wait3A_114 = arith.constant 0 : i32
    %dma_wait3A_115 = tpu.memref_slice %arg4[%add3A_63, %dma_wait3A_114] : memref<819200x128xf32, #tpu.memory_space<hbm>> -> memref<1600x16xf32, #tpu.memory_space<hbm>>
    tpu.wait_dma2 semaphore(%arg16 : memref<!tpu.dma_semaphore, #tpu.memory_space<semaphore_mem>>) src(%arg10 : memref<1600x16xf32, #tpu.memory_space<vmem>>) dst(%dma_wait3A_115 : memref<1600x16xf32, #tpu.memory_space<hbm>>)
    "tpu.region"() ({
      %run_scoped3A = tpu.sem_alloc : memref<!tpu.dma_semaphore, #tpu.memory_space<semaphore_mem>>
      %dma_start3A_257 = tpu.memref_slice %arg2[%add3A_111] : memref<819200xi32, #tpu.memory_space<hbm>> -> memref<1600xi32, #tpu.memory_space<hbm>>
      %dma_start3A_258 = tpu.memref_slice %arg2[%add3A_111] : memref<819200xi32, #tpu.memory_space<hbm>> -> memref<1600xi32, #tpu.memory_space<hbm>>
      tpu.enqueue_dma source(%dma_start3A_258 : memref<1600xi32, #tpu.memory_space<hbm>>) target(%arg7 : memref<1600xi32, #tpu.memory_space<vmem>>) target_semaphore(%run_scoped3A : memref<!tpu.dma_semaphore, #tpu.memory_space<semaphore_mem>>)
      %dma_wait3A_259 = tpu.memref_slice %arg2[%add3A_111] : memref<819200xi32, #tpu.memory_space<hbm>> -> memref<1600xi32, #tpu.memory_space<hbm>>
      %dma_wait3A_260 = tpu.memref_slice %arg2[%add3A_111] : memref<819200xi32, #tpu.memory_space<hbm>> -> memref<1600xi32, #tpu.memory_space<hbm>>
      tpu.wait_dma2 semaphore(%run_scoped3A : memref<!tpu.dma_semaphore, #tpu.memory_space<semaphore_mem>>) src(%dma_wait3A_260 : memref<1600xi32, #tpu.memory_space<hbm>>) dst(%arg7 : memref<1600xi32, #tpu.memory_space<vmem>>)
      tpu.yield
    }) : () -> ()
    %dma_start3A_116 = arith.constant 0 : i32
    %dma_start3A_117 = arith.constant 0 : i32
    %dma_start3A_118 = tpu.memref_slice %arg3[%dma_start3A_116, %dma_start3A_117] : memref<1000000x16xf32, #tpu.memory_space<hbm>> -> memref<1000000x16xf32, #tpu.memory_space<hbm>>
    tpu.enqueue_indirect_dma source(%dma_start3A_118 : memref<1000000x16xf32, #tpu.memory_space<hbm>>) target(%arg10 : memref<1600x16xf32, #tpu.memory_space<vmem>>) offsets(%arg7 : memref<1600xi32, #tpu.memory_space<vmem>>) semaphore(%arg13 : memref<!tpu.dma_semaphore, #tpu.memory_space<semaphore_mem>>)
    %dma_wait3A_119 = arith.constant 0 : i32
    %dma_wait3A_120 = arith.constant 0 : i32
    %dma_wait3A_121 = tpu.memref_slice %arg3[%dma_wait3A_119, %dma_wait3A_120] : memref<1000000x16xf32, #tpu.memory_space<hbm>> -> memref<1000000x16xf32, #tpu.memory_space<hbm>>
    tpu.wait_indirect_dma semaphore(%arg12 : memref<!tpu.dma_semaphore, #tpu.memory_space<semaphore_mem>>) src(%dma_wait3A_121 : memref<1000000x16xf32, #tpu.memory_space<hbm>>) dst(%arg9 : memref<1600x16xf32, #tpu.memory_space<vmem>>)
    %dma_start3A_122 = arith.constant 0 : i32
    %dma_start3A_123 = tpu.memref_slice %arg4[%add3A_95, %dma_start3A_122] : memref<819200x128xf32, #tpu.memory_space<hbm>> -> memref<1600x16xf32, #tpu.memory_space<hbm>>
    %dma_start3A_124 = arith.constant 0 : i32
    %dma_start3A_125 = tpu.memref_slice %arg4[%add3A_95, %dma_start3A_124] : memref<819200x128xf32, #tpu.memory_space<hbm>> -> memref<1600x16xf32, #tpu.memory_space<hbm>>
    tpu.enqueue_dma source(%arg9 : memref<1600x16xf32, #tpu.memory_space<vmem>>) target(%dma_start3A_125 : memref<1600x16xf32, #tpu.memory_space<hbm>>) target_semaphore(%arg15 : memref<!tpu.dma_semaphore, #tpu.memory_space<semaphore_mem>>)
    %add3A_126 = arith.constant 14400 : i32
    %add3A_127 = arith.addi %mul3A_2, %add3A_126 : i32
    %dma_wait3A_128 = arith.constant 0 : i32
    %dma_wait3A_129 = tpu.memref_slice %arg4[%add3A_79, %dma_wait3A_128] : memref<819200x128xf32, #tpu.memory_space<hbm>> -> memref<1600x16xf32, #tpu.memory_space<hbm>>
    %dma_wait3A_130 = arith.constant 0 : i32
    %dma_wait3A_131 = tpu.memref_slice %arg4[%add3A_79, %dma_wait3A_130] : memref<819200x128xf32, #tpu.memory_space<hbm>> -> memref<1600x16xf32, #tpu.memory_space<hbm>>
    tpu.wait_dma2 semaphore(%arg14 : memref<!tpu.dma_semaphore, #tpu.memory_space<semaphore_mem>>) src(%arg8 : memref<1600x16xf32, #tpu.memory_space<vmem>>) dst(%dma_wait3A_131 : memref<1600x16xf32, #tpu.memory_space<hbm>>)
    "tpu.region"() ({
      %run_scoped3A = tpu.sem_alloc : memref<!tpu.dma_semaphore, #tpu.memory_space<semaphore_mem>>
      %dma_start3A_257 = tpu.memref_slice %arg2[%add3A_127] : memref<819200xi32, #tpu.memory_space<hbm>> -> memref<1600xi32, #tpu.memory_space<hbm>>
      %dma_start3A_258 = tpu.memref_slice %arg2[%add3A_127] : memref<819200xi32, #tpu.memory_space<hbm>> -> memref<1600xi32, #tpu.memory_space<hbm>>
      tpu.enqueue_dma source(%dma_start3A_258 : memref<1600xi32, #tpu.memory_space<hbm>>) target(%arg5 : memref<1600xi32, #tpu.memory_space<vmem>>) target_semaphore(%run_scoped3A : memref<!tpu.dma_semaphore, #tpu.memory_space<semaphore_mem>>)
      %dma_wait3A_259 = tpu.memref_slice %arg2[%add3A_127] : memref<819200xi32, #tpu.memory_space<hbm>> -> memref<1600xi32, #tpu.memory_space<hbm>>
      %dma_wait3A_260 = tpu.memref_slice %arg2[%add3A_127] : memref<819200xi32, #tpu.memory_space<hbm>> -> memref<1600xi32, #tpu.memory_space<hbm>>
      tpu.wait_dma2 semaphore(%run_scoped3A : memref<!tpu.dma_semaphore, #tpu.memory_space<semaphore_mem>>) src(%dma_wait3A_260 : memref<1600xi32, #tpu.memory_space<hbm>>) dst(%arg5 : memref<1600xi32, #tpu.memory_space<vmem>>)
      tpu.yield
    }) : () -> ()
    %dma_start3A_132 = arith.constant 0 : i32
    %dma_start3A_133 = arith.constant 0 : i32
    %dma_start3A_134 = tpu.memref_slice %arg3[%dma_start3A_132, %dma_start3A_133] : memref<1000000x16xf32, #tpu.memory_space<hbm>> -> memref<1000000x16xf32, #tpu.memory_space<hbm>>
    tpu.enqueue_indirect_dma source(%dma_start3A_134 : memref<1000000x16xf32, #tpu.memory_space<hbm>>) target(%arg8 : memref<1600x16xf32, #tpu.memory_space<vmem>>) offsets(%arg5 : memref<1600xi32, #tpu.memory_space<vmem>>) semaphore(%arg11 : memref<!tpu.dma_semaphore, #tpu.memory_space<semaphore_mem>>)
    %dma_wait3A_135 = arith.constant 0 : i32
    %dma_wait3A_136 = arith.constant 0 : i32
    %dma_wait3A_137 = tpu.memref_slice %arg3[%dma_wait3A_135, %dma_wait3A_136] : memref<1000000x16xf32, #tpu.memory_space<hbm>> -> memref<1000000x16xf32, #tpu.memory_space<hbm>>
    tpu.wait_indirect_dma semaphore(%arg13 : memref<!tpu.dma_semaphore, #tpu.memory_space<semaphore_mem>>) src(%dma_wait3A_137 : memref<1000000x16xf32, #tpu.memory_space<hbm>>) dst(%arg10 : memref<1600x16xf32, #tpu.memory_space<vmem>>)
    %dma_start3A_138 = arith.constant 0 : i32
    %dma_start3A_139 = tpu.memref_slice %arg4[%add3A_111, %dma_start3A_138] : memref<819200x128xf32, #tpu.memory_space<hbm>> -> memref<1600x16xf32, #tpu.memory_space<hbm>>
    %dma_start3A_140 = arith.constant 0 : i32
    %dma_start3A_141 = tpu.memref_slice %arg4[%add3A_111, %dma_start3A_140] : memref<819200x128xf32, #tpu.memory_space<hbm>> -> memref<1600x16xf32, #tpu.memory_space<hbm>>
    tpu.enqueue_dma source(%arg10 : memref<1600x16xf32, #tpu.memory_space<vmem>>) target(%dma_start3A_141 : memref<1600x16xf32, #tpu.memory_space<hbm>>) target_semaphore(%arg16 : memref<!tpu.dma_semaphore, #tpu.memory_space<semaphore_mem>>)
    %add3A_142 = arith.constant 16000 : i32
    %add3A_143 = arith.addi %mul3A_2, %add3A_142 : i32
    %dma_wait3A_144 = arith.constant 0 : i32
    %dma_wait3A_145 = tpu.memref_slice %arg4[%add3A_95, %dma_wait3A_144] : memref<819200x128xf32, #tpu.memory_space<hbm>> -> memref<1600x16xf32, #tpu.memory_space<hbm>>
    %dma_wait3A_146 = arith.constant 0 : i32
    %dma_wait3A_147 = tpu.memref_slice %arg4[%add3A_95, %dma_wait3A_146] : memref<819200x128xf32, #tpu.memory_space<hbm>> -> memref<1600x16xf32, #tpu.memory_space<hbm>>
    tpu.wait_dma2 semaphore(%arg15 : memref<!tpu.dma_semaphore, #tpu.memory_space<semaphore_mem>>) src(%arg9 : memref<1600x16xf32, #tpu.memory_space<vmem>>) dst(%dma_wait3A_147 : memref<1600x16xf32, #tpu.memory_space<hbm>>)
    "tpu.region"() ({
      %run_scoped3A = tpu.sem_alloc : memref<!tpu.dma_semaphore, #tpu.memory_space<semaphore_mem>>
      %dma_start3A_257 = tpu.memref_slice %arg2[%add3A_143] : memref<819200xi32, #tpu.memory_space<hbm>> -> memref<1600xi32, #tpu.memory_space<hbm>>
      %dma_start3A_258 = tpu.memref_slice %arg2[%add3A_143] : memref<819200xi32, #tpu.memory_space<hbm>> -> memref<1600xi32, #tpu.memory_space<hbm>>
      tpu.enqueue_dma source(%dma_start3A_258 : memref<1600xi32, #tpu.memory_space<hbm>>) target(%arg6 : memref<1600xi32, #tpu.memory_space<vmem>>) target_semaphore(%run_scoped3A : memref<!tpu.dma_semaphore, #tpu.memory_space<semaphore_mem>>)
      %dma_wait3A_259 = tpu.memref_slice %arg2[%add3A_143] : memref<819200xi32, #tpu.memory_space<hbm>> -> memref<1600xi32, #tpu.memory_space<hbm>>
      %dma_wait3A_260 = tpu.memref_slice %arg2[%add3A_143] : memref<819200xi32, #tpu.memory_space<hbm>> -> memref<1600xi32, #tpu.memory_space<hbm>>
      tpu.wait_dma2 semaphore(%run_scoped3A : memref<!tpu.dma_semaphore, #tpu.memory_space<semaphore_mem>>) src(%dma_wait3A_260 : memref<1600xi32, #tpu.memory_space<hbm>>) dst(%arg6 : memref<1600xi32, #tpu.memory_space<vmem>>)
      tpu.yield
    }) : () -> ()
    %dma_start3A_148 = arith.constant 0 : i32
    %dma_start3A_149 = arith.constant 0 : i32
    %dma_start3A_150 = tpu.memref_slice %arg3[%dma_start3A_148, %dma_start3A_149] : memref<1000000x16xf32, #tpu.memory_space<hbm>> -> memref<1000000x16xf32, #tpu.memory_space<hbm>>
    tpu.enqueue_indirect_dma source(%dma_start3A_150 : memref<1000000x16xf32, #tpu.memory_space<hbm>>) target(%arg9 : memref<1600x16xf32, #tpu.memory_space<vmem>>) offsets(%arg6 : memref<1600xi32, #tpu.memory_space<vmem>>) semaphore(%arg12 : memref<!tpu.dma_semaphore, #tpu.memory_space<semaphore_mem>>)
    %dma_wait3A_151 = arith.constant 0 : i32
    %dma_wait3A_152 = arith.constant 0 : i32
    %dma_wait3A_153 = tpu.memref_slice %arg3[%dma_wait3A_151, %dma_wait3A_152] : memref<1000000x16xf32, #tpu.memory_space<hbm>> -> memref<1000000x16xf32, #tpu.memory_space<hbm>>
    tpu.wait_indirect_dma semaphore(%arg11 : memref<!tpu.dma_semaphore, #tpu.memory_space<semaphore_mem>>) src(%dma_wait3A_153 : memref<1000000x16xf32, #tpu.memory_space<hbm>>) dst(%arg8 : memref<1600x16xf32, #tpu.memory_space<vmem>>)
    %dma_start3A_154 = arith.constant 0 : i32
    %dma_start3A_155 = tpu.memref_slice %arg4[%add3A_127, %dma_start3A_154] : memref<819200x128xf32, #tpu.memory_space<hbm>> -> memref<1600x16xf32, #tpu.memory_space<hbm>>
    %dma_start3A_156 = arith.constant 0 : i32
    %dma_start3A_157 = tpu.memref_slice %arg4[%add3A_127, %dma_start3A_156] : memref<819200x128xf32, #tpu.memory_space<hbm>> -> memref<1600x16xf32, #tpu.memory_space<hbm>>
    tpu.enqueue_dma source(%arg8 : memref<1600x16xf32, #tpu.memory_space<vmem>>) target(%dma_start3A_157 : memref<1600x16xf32, #tpu.memory_space<hbm>>) target_semaphore(%arg14 : memref<!tpu.dma_semaphore, #tpu.memory_space<semaphore_mem>>)
    %add3A_158 = arith.constant 17600 : i32
    %add3A_159 = arith.addi %mul3A_2, %add3A_158 : i32
    %dma_wait3A_160 = arith.constant 0 : i32
    %dma_wait3A_161 = tpu.memref_slice %arg4[%add3A_111, %dma_wait3A_160] : memref<819200x128xf32, #tpu.memory_space<hbm>> -> memref<1600x16xf32, #tpu.memory_space<hbm>>
    %dma_wait3A_162 = arith.constant 0 : i32
    %dma_wait3A_163 = tpu.memref_slice %arg4[%add3A_111, %dma_wait3A_162] : memref<819200x128xf32, #tpu.memory_space<hbm>> -> memref<1600x16xf32, #tpu.memory_space<hbm>>
    tpu.wait_dma2 semaphore(%arg16 : memref<!tpu.dma_semaphore, #tpu.memory_space<semaphore_mem>>) src(%arg10 : memref<1600x16xf32, #tpu.memory_space<vmem>>) dst(%dma_wait3A_163 : memref<1600x16xf32, #tpu.memory_space<hbm>>)
    "tpu.region"() ({
      %run_scoped3A = tpu.sem_alloc : memref<!tpu.dma_semaphore, #tpu.memory_space<semaphore_mem>>
      %dma_start3A_257 = tpu.memref_slice %arg2[%add3A_159] : memref<819200xi32, #tpu.memory_space<hbm>> -> memref<1600xi32, #tpu.memory_space<hbm>>
      %dma_start3A_258 = tpu.memref_slice %arg2[%add3A_159] : memref<819200xi32, #tpu.memory_space<hbm>> -> memref<1600xi32, #tpu.memory_space<hbm>>
      tpu.enqueue_dma source(%dma_start3A_258 : memref<1600xi32, #tpu.memory_space<hbm>>) target(%arg7 : memref<1600xi32, #tpu.memory_space<vmem>>) target_semaphore(%run_scoped3A : memref<!tpu.dma_semaphore, #tpu.memory_space<semaphore_mem>>)
      %dma_wait3A_259 = tpu.memref_slice %arg2[%add3A_159] : memref<819200xi32, #tpu.memory_space<hbm>> -> memref<1600xi32, #tpu.memory_space<hbm>>
      %dma_wait3A_260 = tpu.memref_slice %arg2[%add3A_159] : memref<819200xi32, #tpu.memory_space<hbm>> -> memref<1600xi32, #tpu.memory_space<hbm>>
      tpu.wait_dma2 semaphore(%run_scoped3A : memref<!tpu.dma_semaphore, #tpu.memory_space<semaphore_mem>>) src(%dma_wait3A_260 : memref<1600xi32, #tpu.memory_space<hbm>>) dst(%arg7 : memref<1600xi32, #tpu.memory_space<vmem>>)
      tpu.yield
    }) : () -> ()
    %dma_start3A_164 = arith.constant 0 : i32
    %dma_start3A_165 = arith.constant 0 : i32
    %dma_start3A_166 = tpu.memref_slice %arg3[%dma_start3A_164, %dma_start3A_165] : memref<1000000x16xf32, #tpu.memory_space<hbm>> -> memref<1000000x16xf32, #tpu.memory_space<hbm>>
    tpu.enqueue_indirect_dma source(%dma_start3A_166 : memref<1000000x16xf32, #tpu.memory_space<hbm>>) target(%arg10 : memref<1600x16xf32, #tpu.memory_space<vmem>>) offsets(%arg7 : memref<1600xi32, #tpu.memory_space<vmem>>) semaphore(%arg13 : memref<!tpu.dma_semaphore, #tpu.memory_space<semaphore_mem>>)
    %dma_wait3A_167 = arith.constant 0 : i32
    %dma_wait3A_168 = arith.constant 0 : i32
    %dma_wait3A_169 = tpu.memref_slice %arg3[%dma_wait3A_167, %dma_wait3A_168] : memref<1000000x16xf32, #tpu.memory_space<hbm>> -> memref<1000000x16xf32, #tpu.memory_space<hbm>>
    tpu.wait_indirect_dma semaphore(%arg12 : memref<!tpu.dma_semaphore, #tpu.memory_space<semaphore_mem>>) src(%dma_wait3A_169 : memref<1000000x16xf32, #tpu.memory_space<hbm>>) dst(%arg9 : memref<1600x16xf32, #tpu.memory_space<vmem>>)
    %dma_start3A_170 = arith.constant 0 : i32
    %dma_start3A_171 = tpu.memref_slice %arg4[%add3A_143, %dma_start3A_170] : memref<819200x128xf32, #tpu.memory_space<hbm>> -> memref<1600x16xf32, #tpu.memory_space<hbm>>
    %dma_start3A_172 = arith.constant 0 : i32
    %dma_start3A_173 = tpu.memref_slice %arg4[%add3A_143, %dma_start3A_172] : memref<819200x128xf32, #tpu.memory_space<hbm>> -> memref<1600x16xf32, #tpu.memory_space<hbm>>
    tpu.enqueue_dma source(%arg9 : memref<1600x16xf32, #tpu.memory_space<vmem>>) target(%dma_start3A_173 : memref<1600x16xf32, #tpu.memory_space<hbm>>) target_semaphore(%arg15 : memref<!tpu.dma_semaphore, #tpu.memory_space<semaphore_mem>>)
    %add3A_174 = arith.constant 19200 : i32
    %add3A_175 = arith.addi %mul3A_2, %add3A_174 : i32
    %dma_wait3A_176 = arith.constant 0 : i32
    %dma_wait3A_177 = tpu.memref_slice %arg4[%add3A_127, %dma_wait3A_176] : memref<819200x128xf32, #tpu.memory_space<hbm>> -> memref<1600x16xf32, #tpu.memory_space<hbm>>
    %dma_wait3A_178 = arith.constant 0 : i32
    %dma_wait3A_179 = tpu.memref_slice %arg4[%add3A_127, %dma_wait3A_178] : memref<819200x128xf32, #tpu.memory_space<hbm>> -> memref<1600x16xf32, #tpu.memory_space<hbm>>
    tpu.wait_dma2 semaphore(%arg14 : memref<!tpu.dma_semaphore, #tpu.memory_space<semaphore_mem>>) src(%arg8 : memref<1600x16xf32, #tpu.memory_space<vmem>>) dst(%dma_wait3A_179 : memref<1600x16xf32, #tpu.memory_space<hbm>>)
    "tpu.region"() ({
      %run_scoped3A = tpu.sem_alloc : memref<!tpu.dma_semaphore, #tpu.memory_space<semaphore_mem>>
      %dma_start3A_257 = tpu.memref_slice %arg2[%add3A_175] : memref<819200xi32, #tpu.memory_space<hbm>> -> memref<1600xi32, #tpu.memory_space<hbm>>
      %dma_start3A_258 = tpu.memref_slice %arg2[%add3A_175] : memref<819200xi32, #tpu.memory_space<hbm>> -> memref<1600xi32, #tpu.memory_space<hbm>>
      tpu.enqueue_dma source(%dma_start3A_258 : memref<1600xi32, #tpu.memory_space<hbm>>) target(%arg5 : memref<1600xi32, #tpu.memory_space<vmem>>) target_semaphore(%run_scoped3A : memref<!tpu.dma_semaphore, #tpu.memory_space<semaphore_mem>>)
      %dma_wait3A_259 = tpu.memref_slice %arg2[%add3A_175] : memref<819200xi32, #tpu.memory_space<hbm>> -> memref<1600xi32, #tpu.memory_space<hbm>>
      %dma_wait3A_260 = tpu.memref_slice %arg2[%add3A_175] : memref<819200xi32, #tpu.memory_space<hbm>> -> memref<1600xi32, #tpu.memory_space<hbm>>
      tpu.wait_dma2 semaphore(%run_scoped3A : memref<!tpu.dma_semaphore, #tpu.memory_space<semaphore_mem>>) src(%dma_wait3A_260 : memref<1600xi32, #tpu.memory_space<hbm>>) dst(%arg5 : memref<1600xi32, #tpu.memory_space<vmem>>)
      tpu.yield
    }) : () -> ()
    %dma_start3A_180 = arith.constant 0 : i32
    %dma_start3A_181 = arith.constant 0 : i32
    %dma_start3A_182 = tpu.memref_slice %arg3[%dma_start3A_180, %dma_start3A_181] : memref<1000000x16xf32, #tpu.memory_space<hbm>> -> memref<1000000x16xf32, #tpu.memory_space<hbm>>
    tpu.enqueue_indirect_dma source(%dma_start3A_182 : memref<1000000x16xf32, #tpu.memory_space<hbm>>) target(%arg8 : memref<1600x16xf32, #tpu.memory_space<vmem>>) offsets(%arg5 : memref<1600xi32, #tpu.memory_space<vmem>>) semaphore(%arg11 : memref<!tpu.dma_semaphore, #tpu.memory_space<semaphore_mem>>)
    %dma_wait3A_183 = arith.constant 0 : i32
    %dma_wait3A_184 = arith.constant 0 : i32
    %dma_wait3A_185 = tpu.memref_slice %arg3[%dma_wait3A_183, %dma_wait3A_184] : memref<1000000x16xf32, #tpu.memory_space<hbm>> -> memref<1000000x16xf32, #tpu.memory_space<hbm>>
    tpu.wait_indirect_dma semaphore(%arg13 : memref<!tpu.dma_semaphore, #tpu.memory_space<semaphore_mem>>) src(%dma_wait3A_185 : memref<1000000x16xf32, #tpu.memory_space<hbm>>) dst(%arg10 : memref<1600x16xf32, #tpu.memory_space<vmem>>)
    %dma_start3A_186 = arith.constant 0 : i32
    %dma_start3A_187 = tpu.memref_slice %arg4[%add3A_159, %dma_start3A_186] : memref<819200x128xf32, #tpu.memory_space<hbm>> -> memref<1600x16xf32, #tpu.memory_space<hbm>>
    %dma_start3A_188 = arith.constant 0 : i32
    %dma_start3A_189 = tpu.memref_slice %arg4[%add3A_159, %dma_start3A_188] : memref<819200x128xf32, #tpu.memory_space<hbm>> -> memref<1600x16xf32, #tpu.memory_space<hbm>>
    tpu.enqueue_dma source(%arg10 : memref<1600x16xf32, #tpu.memory_space<vmem>>) target(%dma_start3A_189 : memref<1600x16xf32, #tpu.memory_space<hbm>>) target_semaphore(%arg16 : memref<!tpu.dma_semaphore, #tpu.memory_space<semaphore_mem>>)
    %add3A_190 = arith.constant 20800 : i32
    %add3A_191 = arith.addi %mul3A_2, %add3A_190 : i32
    %dma_wait3A_192 = arith.constant 0 : i32
    %dma_wait3A_193 = tpu.memref_slice %arg4[%add3A_143, %dma_wait3A_192] : memref<819200x128xf32, #tpu.memory_space<hbm>> -> memref<1600x16xf32, #tpu.memory_space<hbm>>
    %dma_wait3A_194 = arith.constant 0 : i32
    %dma_wait3A_195 = tpu.memref_slice %arg4[%add3A_143, %dma_wait3A_194] : memref<819200x128xf32, #tpu.memory_space<hbm>> -> memref<1600x16xf32, #tpu.memory_space<hbm>>
    tpu.wait_dma2 semaphore(%arg15 : memref<!tpu.dma_semaphore, #tpu.memory_space<semaphore_mem>>) src(%arg9 : memref<1600x16xf32, #tpu.memory_space<vmem>>) dst(%dma_wait3A_195 : memref<1600x16xf32, #tpu.memory_space<hbm>>)
    "tpu.region"() ({
      %run_scoped3A = tpu.sem_alloc : memref<!tpu.dma_semaphore, #tpu.memory_space<semaphore_mem>>
      %dma_start3A_257 = tpu.memref_slice %arg2[%add3A_191] : memref<819200xi32, #tpu.memory_space<hbm>> -> memref<1600xi32, #tpu.memory_space<hbm>>
      %dma_start3A_258 = tpu.memref_slice %arg2[%add3A_191] : memref<819200xi32, #tpu.memory_space<hbm>> -> memref<1600xi32, #tpu.memory_space<hbm>>
      tpu.enqueue_dma source(%dma_start3A_258 : memref<1600xi32, #tpu.memory_space<hbm>>) target(%arg6 : memref<1600xi32, #tpu.memory_space<vmem>>) target_semaphore(%run_scoped3A : memref<!tpu.dma_semaphore, #tpu.memory_space<semaphore_mem>>)
      %dma_wait3A_259 = tpu.memref_slice %arg2[%add3A_191] : memref<819200xi32, #tpu.memory_space<hbm>> -> memref<1600xi32, #tpu.memory_space<hbm>>
      %dma_wait3A_260 = tpu.memref_slice %arg2[%add3A_191] : memref<819200xi32, #tpu.memory_space<hbm>> -> memref<1600xi32, #tpu.memory_space<hbm>>
      tpu.wait_dma2 semaphore(%run_scoped3A : memref<!tpu.dma_semaphore, #tpu.memory_space<semaphore_mem>>) src(%dma_wait3A_260 : memref<1600xi32, #tpu.memory_space<hbm>>) dst(%arg6 : memref<1600xi32, #tpu.memory_space<vmem>>)
      tpu.yield
    }) : () -> ()
    %dma_start3A_196 = arith.constant 0 : i32
    %dma_start3A_197 = arith.constant 0 : i32
    %dma_start3A_198 = tpu.memref_slice %arg3[%dma_start3A_196, %dma_start3A_197] : memref<1000000x16xf32, #tpu.memory_space<hbm>> -> memref<1000000x16xf32, #tpu.memory_space<hbm>>
    tpu.enqueue_indirect_dma source(%dma_start3A_198 : memref<1000000x16xf32, #tpu.memory_space<hbm>>) target(%arg9 : memref<1600x16xf32, #tpu.memory_space<vmem>>) offsets(%arg6 : memref<1600xi32, #tpu.memory_space<vmem>>) semaphore(%arg12 : memref<!tpu.dma_semaphore, #tpu.memory_space<semaphore_mem>>)
    %dma_wait3A_199 = arith.constant 0 : i32
    %dma_wait3A_200 = arith.constant 0 : i32
    %dma_wait3A_201 = tpu.memref_slice %arg3[%dma_wait3A_199, %dma_wait3A_200] : memref<1000000x16xf32, #tpu.memory_space<hbm>> -> memref<1000000x16xf32, #tpu.memory_space<hbm>>
    tpu.wait_indirect_dma semaphore(%arg11 : memref<!tpu.dma_semaphore, #tpu.memory_space<semaphore_mem>>) src(%dma_wait3A_201 : memref<1000000x16xf32, #tpu.memory_space<hbm>>) dst(%arg8 : memref<1600x16xf32, #tpu.memory_space<vmem>>)
    %dma_start3A_202 = arith.constant 0 : i32
    %dma_start3A_203 = tpu.memref_slice %arg4[%add3A_175, %dma_start3A_202] : memref<819200x128xf32, #tpu.memory_space<hbm>> -> memref<1600x16xf32, #tpu.memory_space<hbm>>
    %dma_start3A_204 = arith.constant 0 : i32
    %dma_start3A_205 = tpu.memref_slice %arg4[%add3A_175, %dma_start3A_204] : memref<819200x128xf32, #tpu.memory_space<hbm>> -> memref<1600x16xf32, #tpu.memory_space<hbm>>
    tpu.enqueue_dma source(%arg8 : memref<1600x16xf32, #tpu.memory_space<vmem>>) target(%dma_start3A_205 : memref<1600x16xf32, #tpu.memory_space<hbm>>) target_semaphore(%arg14 : memref<!tpu.dma_semaphore, #tpu.memory_space<semaphore_mem>>)
    %add3A_206 = arith.constant 22400 : i32
    %add3A_207 = arith.addi %mul3A_2, %add3A_206 : i32
    %dma_wait3A_208 = arith.constant 0 : i32
    %dma_wait3A_209 = tpu.memref_slice %arg4[%add3A_159, %dma_wait3A_208] : memref<819200x128xf32, #tpu.memory_space<hbm>> -> memref<1600x16xf32, #tpu.memory_space<hbm>>
    %dma_wait3A_210 = arith.constant 0 : i32
    %dma_wait3A_211 = tpu.memref_slice %arg4[%add3A_159, %dma_wait3A_210] : memref<819200x128xf32, #tpu.memory_space<hbm>> -> memref<1600x16xf32, #tpu.memory_space<hbm>>
    tpu.wait_dma2 semaphore(%arg16 : memref<!tpu.dma_semaphore, #tpu.memory_space<semaphore_mem>>) src(%arg10 : memref<1600x16xf32, #tpu.memory_space<vmem>>) dst(%dma_wait3A_211 : memref<1600x16xf32, #tpu.memory_space<hbm>>)
    "tpu.region"() ({
      %run_scoped3A = tpu.sem_alloc : memref<!tpu.dma_semaphore, #tpu.memory_space<semaphore_mem>>
      %dma_start3A_257 = tpu.memref_slice %arg2[%add3A_207] : memref<819200xi32, #tpu.memory_space<hbm>> -> memref<1600xi32, #tpu.memory_space<hbm>>
      %dma_start3A_258 = tpu.memref_slice %arg2[%add3A_207] : memref<819200xi32, #tpu.memory_space<hbm>> -> memref<1600xi32, #tpu.memory_space<hbm>>
      tpu.enqueue_dma source(%dma_start3A_258 : memref<1600xi32, #tpu.memory_space<hbm>>) target(%arg7 : memref<1600xi32, #tpu.memory_space<vmem>>) target_semaphore(%run_scoped3A : memref<!tpu.dma_semaphore, #tpu.memory_space<semaphore_mem>>)
      %dma_wait3A_259 = tpu.memref_slice %arg2[%add3A_207] : memref<819200xi32, #tpu.memory_space<hbm>> -> memref<1600xi32, #tpu.memory_space<hbm>>
      %dma_wait3A_260 = tpu.memref_slice %arg2[%add3A_207] : memref<819200xi32, #tpu.memory_space<hbm>> -> memref<1600xi32, #tpu.memory_space<hbm>>
      tpu.wait_dma2 semaphore(%run_scoped3A : memref<!tpu.dma_semaphore, #tpu.memory_space<semaphore_mem>>) src(%dma_wait3A_260 : memref<1600xi32, #tpu.memory_space<hbm>>) dst(%arg7 : memref<1600xi32, #tpu.memory_space<vmem>>)
      tpu.yield
    }) : () -> ()
    %dma_start3A_212 = arith.constant 0 : i32
    %dma_start3A_213 = arith.constant 0 : i32
    %dma_start3A_214 = tpu.memref_slice %arg3[%dma_start3A_212, %dma_start3A_213] : memref<1000000x16xf32, #tpu.memory_space<hbm>> -> memref<1000000x16xf32, #tpu.memory_space<hbm>>
    tpu.enqueue_indirect_dma source(%dma_start3A_214 : memref<1000000x16xf32, #tpu.memory_space<hbm>>) target(%arg10 : memref<1600x16xf32, #tpu.memory_space<vmem>>) offsets(%arg7 : memref<1600xi32, #tpu.memory_space<vmem>>) semaphore(%arg13 : memref<!tpu.dma_semaphore, #tpu.memory_space<semaphore_mem>>)
    %dma_wait3A_215 = arith.constant 0 : i32
    %dma_wait3A_216 = arith.constant 0 : i32
    %dma_wait3A_217 = tpu.memref_slice %arg3[%dma_wait3A_215, %dma_wait3A_216] : memref<1000000x16xf32, #tpu.memory_space<hbm>> -> memref<1000000x16xf32, #tpu.memory_space<hbm>>
    tpu.wait_indirect_dma semaphore(%arg12 : memref<!tpu.dma_semaphore, #tpu.memory_space<semaphore_mem>>) src(%dma_wait3A_217 : memref<1000000x16xf32, #tpu.memory_space<hbm>>) dst(%arg9 : memref<1600x16xf32, #tpu.memory_space<vmem>>)
    %dma_start3A_218 = arith.constant 0 : i32
    %dma_start3A_219 = tpu.memref_slice %arg4[%add3A_191, %dma_start3A_218] : memref<819200x128xf32, #tpu.memory_space<hbm>> -> memref<1600x16xf32, #tpu.memory_space<hbm>>
    %dma_start3A_220 = arith.constant 0 : i32
    %dma_start3A_221 = tpu.memref_slice %arg4[%add3A_191, %dma_start3A_220] : memref<819200x128xf32, #tpu.memory_space<hbm>> -> memref<1600x16xf32, #tpu.memory_space<hbm>>
    tpu.enqueue_dma source(%arg9 : memref<1600x16xf32, #tpu.memory_space<vmem>>) target(%dma_start3A_221 : memref<1600x16xf32, #tpu.memory_space<hbm>>) target_semaphore(%arg15 : memref<!tpu.dma_semaphore, #tpu.memory_space<semaphore_mem>>)
    %add3A_222 = arith.constant 24000 : i32
    %add3A_223 = arith.addi %mul3A_2, %add3A_222 : i32
    %dma_wait3A_224 = arith.constant 0 : i32
    %dma_wait3A_225 = tpu.memref_slice %arg4[%add3A_175, %dma_wait3A_224] : memref<819200x128xf32, #tpu.memory_space<hbm>> -> memref<1600x16xf32, #tpu.memory_space<hbm>>
    %dma_wait3A_226 = arith.constant 0 : i32
    %dma_wait3A_227 = tpu.memref_slice %arg4[%add3A_175, %dma_wait3A_226] : memref<819200x128xf32, #tpu.memory_space<hbm>> -> memref<1600x16xf32, #tpu.memory_space<hbm>>
    tpu.wait_dma2 semaphore(%arg14 : memref<!tpu.dma_semaphore, #tpu.memory_space<semaphore_mem>>) src(%arg8 : memref<1600x16xf32, #tpu.memory_space<vmem>>) dst(%dma_wait3A_227 : memref<1600x16xf32, #tpu.memory_space<hbm>>)
    "tpu.region"() ({
      %run_scoped3A = tpu.sem_alloc : memref<!tpu.dma_semaphore, #tpu.memory_space<semaphore_mem>>
      %dma_start3A_257 = tpu.memref_slice %arg2[%add3A_223] : memref<819200xi32, #tpu.memory_space<hbm>> -> memref<1600xi32, #tpu.memory_space<hbm>>
      %dma_start3A_258 = tpu.memref_slice %arg2[%add3A_223] : memref<819200xi32, #tpu.memory_space<hbm>> -> memref<1600xi32, #tpu.memory_space<hbm>>
      tpu.enqueue_dma source(%dma_start3A_258 : memref<1600xi32, #tpu.memory_space<hbm>>) target(%arg5 : memref<1600xi32, #tpu.memory_space<vmem>>) target_semaphore(%run_scoped3A : memref<!tpu.dma_semaphore, #tpu.memory_space<semaphore_mem>>)
      %dma_wait3A_259 = tpu.memref_slice %arg2[%add3A_223] : memref<819200xi32, #tpu.memory_space<hbm>> -> memref<1600xi32, #tpu.memory_space<hbm>>
      %dma_wait3A_260 = tpu.memref_slice %arg2[%add3A_223] : memref<819200xi32, #tpu.memory_space<hbm>> -> memref<1600xi32, #tpu.memory_space<hbm>>
      tpu.wait_dma2 semaphore(%run_scoped3A : memref<!tpu.dma_semaphore, #tpu.memory_space<semaphore_mem>>) src(%dma_wait3A_260 : memref<1600xi32, #tpu.memory_space<hbm>>) dst(%arg5 : memref<1600xi32, #tpu.memory_space<vmem>>)
      tpu.yield
    }) : () -> ()
    %dma_start3A_228 = arith.constant 0 : i32
    %dma_start3A_229 = arith.constant 0 : i32
    %dma_start3A_230 = tpu.memref_slice %arg3[%dma_start3A_228, %dma_start3A_229] : memref<1000000x16xf32, #tpu.memory_space<hbm>> -> memref<1000000x16xf32, #tpu.memory_space<hbm>>
    tpu.enqueue_indirect_dma source(%dma_start3A_230 : memref<1000000x16xf32, #tpu.memory_space<hbm>>) target(%arg8 : memref<1600x16xf32, #tpu.memory_space<vmem>>) offsets(%arg5 : memref<1600xi32, #tpu.memory_space<vmem>>) semaphore(%arg11 : memref<!tpu.dma_semaphore, #tpu.memory_space<semaphore_mem>>)
    %dma_wait3A_231 = arith.constant 0 : i32
    %dma_wait3A_232 = arith.constant 0 : i32
    %dma_wait3A_233 = tpu.memref_slice %arg3[%dma_wait3A_231, %dma_wait3A_232] : memref<1000000x16xf32, #tpu.memory_space<hbm>> -> memref<1000000x16xf32, #tpu.memory_space<hbm>>
    tpu.wait_indirect_dma semaphore(%arg13 : memref<!tpu.dma_semaphore, #tpu.memory_space<semaphore_mem>>) src(%dma_wait3A_233 : memref<1000000x16xf32, #tpu.memory_space<hbm>>) dst(%arg10 : memref<1600x16xf32, #tpu.memory_space<vmem>>)
    %dma_start3A_234 = arith.constant 0 : i32
    %dma_start3A_235 = tpu.memref_slice %arg4[%add3A_207, %dma_start3A_234] : memref<819200x128xf32, #tpu.memory_space<hbm>> -> memref<1600x16xf32, #tpu.memory_space<hbm>>
    %dma_start3A_236 = arith.constant 0 : i32
    %dma_start3A_237 = tpu.memref_slice %arg4[%add3A_207, %dma_start3A_236] : memref<819200x128xf32, #tpu.memory_space<hbm>> -> memref<1600x16xf32, #tpu.memory_space<hbm>>
    tpu.enqueue_dma source(%arg10 : memref<1600x16xf32, #tpu.memory_space<vmem>>) target(%dma_start3A_237 : memref<1600x16xf32, #tpu.memory_space<hbm>>) target_semaphore(%arg16 : memref<!tpu.dma_semaphore, #tpu.memory_space<semaphore_mem>>)
    %dma_wait3A_238 = arith.constant 0 : i32
    %dma_wait3A_239 = arith.constant 0 : i32
    %dma_wait3A_240 = tpu.memref_slice %arg3[%dma_wait3A_238, %dma_wait3A_239] : memref<1000000x16xf32, #tpu.memory_space<hbm>> -> memref<1000000x16xf32, #tpu.memory_space<hbm>>
    tpu.wait_indirect_dma semaphore(%arg11 : memref<!tpu.dma_semaphore, #tpu.memory_space<semaphore_mem>>) src(%dma_wait3A_240 : memref<1000000x16xf32, #tpu.memory_space<hbm>>) dst(%arg8 : memref<1600x16xf32, #tpu.memory_space<vmem>>)
    %dma_start3A_241 = arith.constant 0 : i32
    %dma_start3A_242 = tpu.memref_slice %arg4[%add3A_223, %dma_start3A_241] : memref<819200x128xf32, #tpu.memory_space<hbm>> -> memref<1600x16xf32, #tpu.memory_space<hbm>>
    %dma_start3A_243 = arith.constant 0 : i32
    %dma_start3A_244 = tpu.memref_slice %arg4[%add3A_223, %dma_start3A_243] : memref<819200x128xf32, #tpu.memory_space<hbm>> -> memref<1600x16xf32, #tpu.memory_space<hbm>>
    tpu.enqueue_dma source(%arg8 : memref<1600x16xf32, #tpu.memory_space<vmem>>) target(%dma_start3A_244 : memref<1600x16xf32, #tpu.memory_space<hbm>>) target_semaphore(%arg14 : memref<!tpu.dma_semaphore, #tpu.memory_space<semaphore_mem>>)
    %dma_wait3A_245 = arith.constant 0 : i32
    %dma_wait3A_246 = tpu.memref_slice %arg4[%add3A_223, %dma_wait3A_245] : memref<819200x128xf32, #tpu.memory_space<hbm>> -> memref<1600x16xf32, #tpu.memory_space<hbm>>
    %dma_wait3A_247 = arith.constant 0 : i32
    %dma_wait3A_248 = tpu.memref_slice %arg4[%add3A_223, %dma_wait3A_247] : memref<819200x128xf32, #tpu.memory_space<hbm>> -> memref<1600x16xf32, #tpu.memory_space<hbm>>
    tpu.wait_dma2 semaphore(%arg14 : memref<!tpu.dma_semaphore, #tpu.memory_space<semaphore_mem>>) src(%arg8 : memref<1600x16xf32, #tpu.memory_space<vmem>>) dst(%dma_wait3A_248 : memref<1600x16xf32, #tpu.memory_space<hbm>>)
    %dma_wait3A_249 = arith.constant 0 : i32
    %dma_wait3A_250 = tpu.memref_slice %arg4[%add3A_191, %dma_wait3A_249] : memref<819200x128xf32, #tpu.memory_space<hbm>> -> memref<1600x16xf32, #tpu.memory_space<hbm>>
    %dma_wait3A_251 = arith.constant 0 : i32
    %dma_wait3A_252 = tpu.memref_slice %arg4[%add3A_191, %dma_wait3A_251] : memref<819200x128xf32, #tpu.memory_space<hbm>> -> memref<1600x16xf32, #tpu.memory_space<hbm>>
    tpu.wait_dma2 semaphore(%arg15 : memref<!tpu.dma_semaphore, #tpu.memory_space<semaphore_mem>>) src(%arg9 : memref<1600x16xf32, #tpu.memory_space<vmem>>) dst(%dma_wait3A_252 : memref<1600x16xf32, #tpu.memory_space<hbm>>)
    %dma_wait3A_253 = arith.constant 0 : i32
    %dma_wait3A_254 = tpu.memref_slice %arg4[%add3A_207, %dma_wait3A_253] : memref<819200x128xf32, #tpu.memory_space<hbm>> -> memref<1600x16xf32, #tpu.memory_space<hbm>>
    %dma_wait3A_255 = arith.constant 0 : i32
    %dma_wait3A_256 = tpu.memref_slice %arg4[%add3A_207, %dma_wait3A_255] : memref<819200x128xf32, #tpu.memory_space<hbm>> -> memref<1600x16xf32, #tpu.memory_space<hbm>>
    tpu.wait_dma2 semaphore(%arg16 : memref<!tpu.dma_semaphore, #tpu.memory_space<semaphore_mem>>) src(%arg10 : memref<1600x16xf32, #tpu.memory_space<vmem>>) dst(%dma_wait3A_256 : memref<1600x16xf32, #tpu.memory_space<hbm>>)
    return
  }
}

</mosaic_0001>

<sc_bundles>
// kernel: kernel.3.cloned.1.call-start
scs
__scs_entry_jumppad:
0x0: {  	(pc) =	sbr.rel $0x88, $3  }
0x1: {  	(tag) =	ssettag $0x0;
	lr =	simm.s32 $0x1  }
0x2: {  	[smem:$0x3F9F] =	sst lr;
	_ =	strace $0xD0000000  }
0x3: {  	_ = 	snop  }
0x4: {  	_ = 	snop  }
0x5: {  	_ = 	snop  }
0x6: {  	_ = 	snop  }
0x7: {  	_ = 	snop  }
__scs_overlays_trampoline_lowered:
0x8: {  	[smem:$0x3FAE] =	sst s0  }
0x9: {  	[smem:$0x3FAF] =	sst s1  }
0xa: {  	[smem:$0x3FB0] =	sst s2  }
0xb: {  	[smem:$0x3FB1] =	sst s3  }
0xc: {  	[smem:$0x3FB2] =	sst s4  }
0xd: {  	[smem:$0x3FB3] =	sst s5  }
0xe: {  	[smem:$0x3FB4] =	sst s6  }
0xf: {  	[smem:$0x3FB5] =	sst s7  }
0x10: {  	[smem:$0x3FB6] =	sst s8  }
0x11: {  	[smem:$0x3FB7] =	sst s9;
	s0 =	simm.s32 @!p0 $0x0  }
0x12: {  	s1 =	sld [smem:$0x3F9D];
	s0 =	simm.s32 @p0 $0x1  }
0x13: {  	[smem:$0x3FB8] =	sst s0;
	s0 =	simm.s32 @!p1 $0x0  }
0x14: {  	s2 =	sld [smem:$0x3F9C];
	s0 =	simm.s32 @p1 $0x1  }
0x15: {  	[smem:$0x3FB9] =	sst s0;
	s0 =	simm.s32 @!p2 $0x0  }
0x16: {  	s3 =	sld [smem:$0x3FDB];
	s0 =	simm.s32 @p2 $0x1  }
0x17: {  	s4 =	simm.s32 $0x1BF5;
	[smem:$0x3FBB] =	sst s0  }
0x18: {  	s0 =	sld [smem:$0x3F9E];
	_ =	swait.ge [sflag:s4], $0x0  }
0x19: {  	s7 =	sld [smem:$0x3F9F]  }
0x1a: {  	s8 =	sadd.s32 $0xFFFFE003, lr  }
0x1b: {  	s9 =	sadd.s32 $0xFFFFFEF7, lr;
	s5 =	simm.s32 $0xFFFFFFFF;
	p2 =	slt.u32 s8, $0xFFFFF086  }
0x1c: {  	p1 =	slt.u32 s9, $0xF7A;
	s5 =	simm.s32 @!p2 $0x0  }
0x1d: {  	s5 =	simm.s32 @p1 $0x1;
	p0 =	seq.s32 s7, s2  }
0x1e: {  	s7 =	smul.u32 @!p0 $0xF7A, s2;
	p2 =	seq.s32 @!p0 s5, $0x0  }
0x1f: {  	s9 =	smul.u32 $0xF7A, s1;
	s8 =	simm.s32 @!p0 $0x1BF5;
	p2 =	por !p2, p0  }
0x20: {  	[sflag:s8] =	ssyncset.s32 @!p0 $0xFFFFF086;
	s6 =	sadd.s32 @!p0 s3, s7;
	s7 =	simm.s32 @!p0 $0x108  }
0x21: {  	s3 =	sadd.s32 s3, s9;
	s6 =	sadd.s32 @!p0 $0x88, s6;
	s7 =	simm.s32 @p2 $0x1082  }
0x22: {  	[simem:s7], [sflag:s8] =	dma.local @!p0 [hbm:s6], $0xF7A  }
0x23: {  	s9 =	sor.u32 $0xD0000000, s2;
	s6 =	simm.s32 $0x108;
	_ =	swait.ge @!p0 [sflag:s8], $0x0  }
0x24: {  	s3 =	sadd.s32 $0x88, s3;
	s6 =	simm.s32 @!p1 $0x1082;
	[sflag:s4] =	ssyncset.s32 $0xFFFFF086  }
0x25: {  	[simem:s6], [sflag:s4] =	dma.local [hbm:s3], $0xF7A  }
0x26: {  	[smem:$0x3F9F] =	sst s1;
	(tag) =	ssettag s2;
	_ =	strace s9  }
0x27: {  	s1 =	sld [smem:$0x3FAF]  }
0x28: {  	s2 =	sld [smem:$0x3FB0]  }
0x29: {  	s4 =	sld [smem:$0x3FB2]  }
0x2a: {  	p0 =	seq.s32 s5, $0x0;
	s5 =	sld [smem:$0x3FB3]  }
0x2b: {  	s6 =	sld [smem:$0x3FB4]  }
0x2c: {  	s7 =	sld [smem:$0x3FB5]  }
0x2d: {  	s3 =	simm.s32 $0x108;
	s8 =	sld [smem:$0x3FB6]  }
0x2e: {  	s3 =	simm.s32 @!p0 $0x1082;
	s9 =	sld [smem:$0x3FB7]  }
0x2f: {  	lr =	sadd.s32 s0, s3;
	s0 =	sld [smem:$0x3FAE]  }
0x30: {  	s3 =	sld [smem:$0x3FB1]  }
0x31: {  	[smem:$0x3FBA] =	sst s10  }
0x32: {  	s10 =	sld [smem:$0x3FB8];
	_ =	sdelay $0x3  }
0x33: {  	p0 =	seq.s32 s10, $0x1;
	s10 =	sld [smem:$0x3FBA];
	_ =	sdelay $0x3  }
0x34: {  	[smem:$0x3FBA] =	sst s10  }
0x35: {  	s10 =	sld [smem:$0x3FB9];
	_ =	sdelay $0x3  }
0x36: {  	p1 =	seq.s32 s10, $0x1;
	s10 =	sld [smem:$0x3FBA];
	_ =	sdelay $0x3  }
0x37: {  	[smem:$0x3FBA] =	sst s10  }
0x38: {  	s10 =	sld [smem:$0x3FBB]  }
0x39: {  	_ = 	snop;
	(pc) =	sbr.ind lr, $3  }
0x3a: {  	_ = 	snop  }
0x3b: {  	_ = 	snop  }
0x3c: {  	p2 =	seq.s32 s10, $0x1;
	s10 =	sld [smem:$0x3FBA]  }
0x3d: {  	_ =	shalt  }
0x3e: {  	_ =	shalt  }
0x3f: {  	_ =	shalt  }
0x40: {  	_ =	shalt  }
0x41: {  	_ =	shalt  }
0x42: {  	_ =	shalt  }
0x43: {  	_ =	shalt  }
0x44: {  	_ =	shalt  }
0x45: {  	_ =	shalt  }
0x46: {  	_ =	shalt  }
0x47: {  	_ =	shalt  }
0x48: {  	_ =	shalt  }
0x49: {  	_ =	shalt  }
0x4a: {  	_ =	shalt  }
0x4b: {  	_ =	shalt  }
0x4c: {  	_ =	shalt  }
0x4d: {  	_ =	shalt  }
0x4e: {  	_ =	shalt  }
0x4f: {  	_ =	shalt  }
0x50: {  	_ =	shalt  }
0x51: {  	_ =	shalt  }
0x52: {  	_ =	shalt  }
0x53: {  	_ =	shalt  }
0x54: {  	_ =	shalt  }
0x55: {  	_ =	shalt  }
0x56: {  	_ =	shalt  }
0x57: {  	_ =	shalt  }
0x58: {  	_ =	shalt  }
0x59: {  	_ =	shalt  }
0x5a: {  	_ =	shalt  }
0x5b: {  	_ =	shalt  }
0x5c: {  	_ =	shalt  }
0x5d: {  	_ =	shalt  }
0x5e: {  	_ =	shalt  }
0x5f: {  	_ =	shalt  }
0x60: {  	_ =	shalt  }
0x61: {  	_ =	shalt  }
0x62: {  	_ =	shalt  }
0x63: {  	_ =	shalt  }
0x64: {  	_ =	shalt  }
0x65: {  	_ =	shalt  }
0x66: {  	_ =	shalt  }
0x67: {  	_ =	shalt  }
0x68: {  	_ =	shalt  }
0x69: {  	_ =	shalt  }
0x6a: {  	_ =	shalt  }
0x6b: {  	_ =	shalt  }
0x6c: {  	_ =	shalt  }
0x6d: {  	_ =	shalt  }
0x6e: {  	_ =	shalt  }
0x6f: {  	_ =	shalt  }
0x70: {  	_ =	shalt  }
0x71: {  	_ =	shalt  }
0x72: {  	_ =	shalt  }
0x73: {  	_ =	shalt  }
0x74: {  	_ =	shalt  }
0x75: {  	_ =	shalt  }
0x76: {  	_ =	shalt  }
0x77: {  	_ =	shalt  }
0x78: {  	_ =	shalt  }
0x79: {  	_ =	shalt  }
0x7a: {  	_ =	shalt  }
0x7b: {  	_ =	shalt  }
0x7c: {  	_ =	shalt  }
0x7d: {  	_ =	shalt  }
0x7e: {  	_ =	shalt  }
0x7f: {  	_ =	shalt  }
0x80: {  	_ =	shalt  }
0x81: {  	_ =	shalt  }
0x82: {  	_ =	shalt  }
0x83: {  	_ =	shalt  }
0x84: {  	_ =	shalt  }
0x85: {  	_ =	shalt  }
0x86: {  	_ =	shalt  }
0x87: {  	_ =	shalt  }
.Lfunc_end0:
.L_simem_size_0:
called_computation.1_lowered:
.L_overlay_start_0:
0x88: {  	s2 =	sld [smem:$0x3FD9]  }
0x89: {  	s3 =	sld [smem:$0x3FFE];
	_ =	sdelay $0x1  }
0x8a: {  	s1 =	srdreg.scid  }
0x8b: {  	s0 =	sand.u32 $0x1, s1  }
0x8c: {  	s17 =	sshll.u32 s0, $0xA;
	s2 =	sadd.s32 s3, s2  }
0x8d: {  	s2 =	sadd.s32 s2, s17  }
0x8e: {  	[smem:$0x3FC6] =	sst s2  }
0x8f: {  	_ = 	snop  }
0x90: {  	s2 =	sld [smem:$0x3FD0];
	(tm) =	ssettm $0x1  }
0x91: {  	s18 =	sld [smem:$0x3FFB];
	_ =	sdelay $0x3  }
0x92: {  	_ =	strace s18  }
0x93: {  	s3 =	sld [smem:$0x3FFC];
	_ =	sdelay $0x3  }
0x94: {  	_ =	strace s3  }
0x95: {  	s3 =	sld [smem:$0x3FFD];
	_ =	sdelay $0x3  }
0x96: {  	_ =	strace s3  }
0x97: {  	_ =	strace $0x8FFFFFFF  }
0x98: {  	s19 =	sld [smem:$0x3FDB];
	_ =	sdelay $0x1  }
0x99: {  	s4 =	simm.s32 $_scs_section_size  }
0x9a: {  	s5 =	simm.s32 $_size__tile_overlayer_lowered;
	s6 =	simm.s32 $_tile_overlayer_lowered  }
0x9b: {  	s22 =	simm.s32 $0x1BFF;
	s21 =	sshll.u32 s6, $0x1;
	s3 =	sadd.s32 s4, s19  }
0x9c: {  	s7 =	simm.s32 $0x0;
	s20 =	sshll.u32 s5, $0x1;
	s5 =	sadd.s32 s21, s3  }
0x9d: {  	[timem:s7], [sflag:s22] =	dma.local [hbm:s5], s20  }
0x9e: {  	_ =	swait.ge [sflag:s22], s20  }
0x9f: {  	s4 =	ssub.s32 $0x0, s20;
	[sflag:s22] =	ssyncset.done $0x0  }
0xa0: {  	[sflag:s22] =	ssyncadd.s32 s4;
	_ =	sdelay $0x1  }
0xa1: {  	s23 =	simm.s32 $0x1B8B  }
0xa2: {  	_ =	swait.ge [sflag:s23], $0x1  }
0xa3: {  	[sflag:s23] =	ssyncset.done $0x0  }
0xa4: {  	s25 =	simm.s32 $0x1B8E;
	s24 =	sld [smem:$0x3FFE];
	[sflag:s23] =	ssyncadd.s32 $0xFFFFFFFF  }
0xa5: {  	s26 =	simm.s32 $execute0_lowered;
	[smem:$0x3FD2] =	sst s25  }
0xa6: {  	s5 =	sshll.u32 s26, $0x1;
	_ =	strace $0x80000046;
	[dreg:$0x1] =	wrdreg $0xFFFFFFFF  }
0xa7: {  	s28 =	simm.s32 $_size_execute0_lowered;
	s3 =	sadd.s32 s3, s5;
	[dreg:$0x0] =	wrdreg $0x0  }
0xa8: {  	s5 =	sshll.u32 s28, $0x1;
	[dreg:$0x2] =	wrdreg s3  }
0xa9: {  	[dreg:$0x3] =	wrdreg s5  }
0xaa: {  	[dreg:$0x4] =	wrdreg $0xC0  }
0xab: {  	_ =	task [dreg:s7], $0x5FFFF  }
0xac: {  	[dreg:$0x1] =	wrdreg $0xFFFFFFFF  }
0xad: {  	[dreg:$0x0] =	wrdreg $0x60  }
0xae: {  	[dreg:$0x2] =	wrdreg s2  }
0xaf: {  	[dreg:$0x3] =	wrdreg s24  }
0xb0: {  	[dreg:$0x4] =	wrdreg $0x9  }
0xb1: {  	_ =	task.clear_ibuf [dreg:s7], $0x5FFFF;
	_ =	strace $0x90000046  }
0xb2: {  	s29 =	simm.s32 $0x9;
	_ =	strace $0x80000048  }
0xb3: {  	_ =	swait.ge [sflag:s29], $0x1  }
0xb4: {  	[sflag:s29] =	ssyncadd.s32 $0xFFFFFFFF  }
0xb5: {  	_ =	strace $0x90000048  }
0xb6: {  	_ =	sfence  }
0xb7: {  	s30 =	sld [smem:$0x0];
	_ =	sdelay $0x2  }
0xb8: {  	s31 =	sshll.u32 s1, $0xD;
	s1 =	sshrl.u32 s1, $0x2  }
0xb9: {  	s3 =	sand.u32 $0x4000, s31;
	s1 =	sadd.s32 s1, s30  }
0xba: {  	s0 =	sor.u32 s3, s0;
	s1 =	sshll.u32 s1, $0x11  }
0xbb: {  	s0 =	sor.u32 s1, s0  }
0xbc: {  	s0 =	sadd.s32 $0x8F2B, s0  }
0xbd: {  	[sflag:s0] =	ssyncadd.remote.s32 $0x1  }
0xbe: {  	_ =	sfence.sel $0xFFFF  }
0xbf: {  	[dreg:$0x0] =	wrdreg $0xFFFFFFFF;
	(pc) =	sbr.abs _section_cstart, $3  }
0xc0: {  	[dreg:$0x1] =	wrdreg $0xFFFFFFFF  }
0xc1: {  	_ =	task.clear_ibuf [dreg:s7], $0x2FFFF;
	_ =	strace $0x9FFFFFFF  }
0xc2: {  	(tm) =	ssettm $0x7FFFFFFF  }
0xc3: {  	_ =	shalt  }
tec
execute0_lowered:
.L_overlay_start_1:
0x0: {  	(tag) =	ssettag $0x1  }
0x1: {  	s29 =	rddreg [dreg:$0x0];
	s1 =	srdreg.scid  }
0x2: {  	s0 =	stileid.u32;
	s4 =	rddreg [dreg:$0x1]  }
0x3: {  	s2 =	simm.s32 $0x0;
	s1 =	sand.u32 $0x1, s1;
	s3 =	sshll.u32 s0, $0x1  }
0x4: {  	[smem:$0x7FF] =	sst s2;
	s3 =	sor.u32 s1, s3  }
0x5: {  	[dreg:$0x17] =	wrdreg s1;
	s30 =	smul.u32 $0x6400, s3  }
0x6: {  	s31 =	sadd.s32 $0xA00, s4;
	_ =	strace $0x80000047;
	s3 =	smul.u32 $0x64000, s3  }
0x7: {  	s5 =	sshrl.u32 s30, $0x3;
	s6 =	sadd.s32 $0x640, s30;
	s9 =	sadd.s32 $0xC80, s30  }
0x8: {  	s3 =	sadd.s32 s31, s3;
	s14 =	sadd.s32 $0x12C0, s30;
	s17 =	sadd.s32 $0x1900, s30  }
0x9: {  	s22 =	sadd.s32 $0x1F40, s30;
	s25 =	sadd.s32 $0x2580, s30;
	s5 =	sadd.s32 s29, s5  }
0xa: {  	s7 =	sshrl.u32 s6, $0x3;
	s10 =	sshrl.u32 s9, $0x3;
	[dreg:$0x5] =	wrdreg s3  }
0xb: {  	s12 =	sshll.u32 s6, $0x4;
	[dreg:$0x3] =	wrdreg s5;
	s8 =	sadd.s32 s29, s7  }
0xc: {  	s15 =	sshrl.u32 s14, $0x3;
	s11 =	sadd.s32 s29, s10;
	[dreg:$0x4] =	wrdreg s8  }
0xd: {  	s16 =	sshll.u32 s9, $0x4;
	s13 =	sadd.s32 s31, s12;
	[dreg:$0x6] =	wrdreg s11  }
0xe: {  	s19 =	sshrl.u32 s17, $0x3;
	s3 =	sadd.s32 s29, s15;
	[dreg:$0x7] =	wrdreg s13  }
0xf: {  	s23 =	sshrl.u32 s22, $0x3;
	s18 =	sadd.s32 s31, s16;
	[dreg:$0x8] =	wrdreg s3  }
0x10: {  	s24 =	sshll.u32 s17, $0x4;
	s20 =	sadd.s32 s29, s19;
	[dreg:$0x9] =	wrdreg s18  }
0x11: {  	s0 =	sshrl.u32 s25, $0x3;
	s26 =	sadd.s32 s31, s24;
	[dreg:$0xa] =	wrdreg s20  }
0x12: {  	s5 =	sshll.u32 s14, $0x4;
	s1 =	sadd.s32 s29, s0;
	[dreg:$0xd] =	wrdreg s26  }
0x13: {  	s10 =	sshll.u32 s25, $0x4;
	s19 =	sadd.s32 $0x3840, s30;
	[dreg:$0xe] =	wrdreg s1  }
0x14: {  	s21 =	sadd.s32 s31, s5;
	s3 =	sadd.s32 s29, s23;
	s18 =	rddreg [dreg:$0x3]  }
0x15: {  	s5 =	sshll.u32 s22, $0x4;
	s8 =	sadd.s32 $0x2BC0, s30;
	[dreg:$0xb] =	wrdreg s21  }
0x16: {  	s11 =	sadd.s32 $0x3200, s30;
	s12 =	sadd.s32 s31, s10;
	[dreg:$0xc] =	wrdreg s3  }
0x17: {  	s6 =	sadd.s32 s31, s5;
	s9 =	sshrl.u32 s8, $0x3;
	[dreg:$0x11] =	wrdreg s12  }
0x18: {  	[tilespmem:s2], [sflag:$0x7] =	stream.linear.gather [hbm4b:s18+s2], $0x640, $0x38;
	[tilespmem:$0x13EC0] =	vst v63  }
0x19: {  	s13 =	sshrl.u32 s11, $0x3;
	[dreg:$0xf] =	wrdreg s6;
	s3 =	sadd.s32 s29, s9  }
0x1a: {  	s5 =	sshll.u32 s8, $0x4;
	s14 =	sadd.s32 s29, s13;
	[dreg:$0x10] =	wrdreg s3  }
0x1b: {  	s17 =	sshll.u32 s11, $0x4;
	s15 =	sadd.s32 s31, s5;
	[dreg:$0x12] =	wrdreg s14  }
0x1c: {  	s16 =	sshrl.u32 s19, $0x3;
	s20 =	sadd.s32 s31, s17;
	[dreg:$0x13] =	wrdreg s15  }
0x1d: {  	s3 =	sadd.s32 s29, s16;
	[dreg:$0x15] =	wrdreg s20  }
0x1e: {  	[dreg:$0x14] =	wrdreg s3;
	s3 =	simm.s32 $0x7  }
0x1f: {  	_ =	swait.ge [sflag:s3], $0x640  }
0x20: {  	s4 =	sadd.s32 $0xF42E00, s4;
	[sflag:s3] =	ssyncset.done $0x0  }
0x21: {  	s5 =	simm.s32 $0x640;
	s6 =	simm.s32 $0x12C0;
	[sflag:s3] =	ssyncadd.s32 $0xFFFFF9C0  }
0x22: {  	[tilespmem:s6], [sflag:$0x1] =	stream.indirect.gather [hbm4b:s4+s5], $0x10, s2, s5, $0xb8;
	[tilespmem:$0x13EC0] =	vst v63  }
0x23: {  	s21 =	rddreg [dreg:$0x4]  }
0x24: {  	[tilespmem:s5], [sflag:$0x7] =	stream.linear.gather [hbm4b:s21+s2], $0x640, $0x38;
	[tilespmem:$0x13EC0] =	vst v63  }
0x25: {  	_ =	swait.ge [sflag:s3], $0x640  }
0x26: {  	[sflag:s3] =	ssyncset.done $0x0  }
0x27: {  	s7 =	simm.s32 $0x76C0;
	s8 =	simm.s32 $0x1;
	[sflag:s3] =	ssyncadd.s32 $0xFFFFF9C0  }
0x28: {  	[tilespmem:s7], [sflag:$0x2] =	stream.indirect.gather [hbm4b:s4+s5], $0x10, s5, s5, $0xb8;
	[tilespmem:$0x13EC0] =	vst v63  }
0x29: {  	_ =	swait.ge [sflag:s8], $0x6400  }
0x2a: {  	s10 =	simm.s32 $0x80;
	[sflag:s8] =	ssyncset.done $0x0  }
0x2b: {  	s9 =	simm.s32 $0x10;
	s11 =	rddreg [dreg:$0x5];
	[sflag:s8] =	ssyncadd.s32 $0xFFFF9C00  }
0x2c: {  	[hbm4b:s11+s9] =	stream.strided.scatter [tilespmem:s6], [sflag:$0x4], $0x6400, s10, s9, $0x38;
	[tilespmem:$0x13EC0] =	vst v63  }
0x2d: {  	s12 =	rddreg [dreg:$0x6];
	s11 =	simm.s32 $0xC80  }
0x2e: {  	[tilespmem:s11], [sflag:$0x7] =	stream.linear.gather [hbm4b:s12+s2], $0x640, $0x38;
	[tilespmem:$0x13EC0] =	vst v63  }
0x2f: {  	_ =	swait.ge [sflag:s3], $0x640  }
0x30: {  	[sflag:s3] =	ssyncset.done $0x0  }
0x31: {  	s13 =	simm.s32 $0x2;
	s12 =	simm.s32 $0xDAC0;
	[sflag:s3] =	ssyncadd.s32 $0xFFFFF9C0  }
0x32: {  	[tilespmem:s12], [sflag:$0x3] =	stream.indirect.gather [hbm4b:s4+s5], $0x10, s11, s5, $0xb8;
	[tilespmem:$0x13EC0] =	vst v63  }
0x33: {  	_ =	swait.ge [sflag:s13], $0x6400  }
0x34: {  	[sflag:s13] =	ssyncset.done $0x0  }
0x35: {  	s14 =	simm.s32 $0x4;
	s15 =	rddreg [dreg:$0x7];
	[sflag:s13] =	ssyncadd.s32 $0xFFFF9C00  }
0x36: {  	[hbm4b:s15+s9] =	stream.strided.scatter [tilespmem:s7], [sflag:$0x5], $0x6400, s10, s9, $0x38;
	[tilespmem:$0x13EC0] =	vst v63  }
0x37: {  	_ =	swait.ge [sflag:s14], $0x6400  }
0x38: {  	[sflag:s14] =	ssyncset.done $0x0  }
0x39: {  	s22 =	rddreg [dreg:$0x8];
	[sflag:s14] =	ssyncadd.s32 $0xFFFF9C00  }
0x3a: {  	[tilespmem:s2], [sflag:$0x7] =	stream.linear.gather [hbm4b:s22+s2], $0x640, $0x38;
	[tilespmem:$0x13EC0] =	vst v63  }
0x3b: {  	_ =	swait.ge [sflag:s3], $0x640  }
0x3c: {  	[sflag:s3] =	ssyncset.done $0x0  }
0x3d: {  	s15 =	simm.s32 $0x3;
	[sflag:s3] =	ssyncadd.s32 $0xFFFFF9C0  }
0x3e: {  	[tilespmem:s6], [sflag:$0x1] =	stream.indirect.gather [hbm4b:s4+s5], $0x10, s2, s5, $0xb8;
	[tilespmem:$0x13EC0] =	vst v63  }
0x3f: {  	_ =	swait.ge [sflag:s15], $0x6400  }
0x40: {  	[sflag:s15] =	ssyncset.done $0x0  }
0x41: {  	s16 =	simm.s32 $0x5;
	s17 =	rddreg [dreg:$0x9];
	[sflag:s15] =	ssyncadd.s32 $0xFFFF9C00  }
0x42: {  	[hbm4b:s17+s9] =	stream.strided.scatter [tilespmem:s12], [sflag:$0x6], $0x6400, s10, s9, $0x38;
	[tilespmem:$0x13EC0] =	vst v63  }
0x43: {  	_ =	swait.ge [sflag:s16], $0x6400  }
0x44: {  	[sflag:s16] =	ssyncset.done $0x0  }
0x45: {  	s23 =	rddreg [dreg:$0xa];
	[sflag:s16] =	ssyncadd.s32 $0xFFFF9C00  }
0x46: {  	[tilespmem:s5], [sflag:$0x7] =	stream.linear.gather [hbm4b:s23+s2], $0x640, $0x38;
	[tilespmem:$0x13EC0] =	vst v63  }
0x47: {  	_ =	swait.ge [sflag:s3], $0x640  }
0x48: {  	[sflag:s3] =	ssyncset.done $0x0  }
0x49: {  	[sflag:s3] =	ssyncadd.s32 $0xFFFFF9C0  }
0x4a: {  	[tilespmem:s7], [sflag:$0x2] =	stream.indirect.gather [hbm4b:s4+s5], $0x10, s5, s5, $0xb8;
	[tilespmem:$0x13EC0] =	vst v63  }
0x4b: {  	_ =	swait.ge [sflag:s8], $0x6400  }
0x4c: {  	[sflag:s8] =	ssyncset.done $0x0  }
0x4d: {  	s17 =	simm.s32 $0x6;
	s18 =	rddreg [dreg:$0xb];
	[sflag:s8] =	ssyncadd.s32 $0xFFFF9C00  }
0x4e: {  	[hbm4b:s18+s9] =	stream.strided.scatter [tilespmem:s6], [sflag:$0x4], $0x6400, s10, s9, $0x38;
	[tilespmem:$0x13EC0] =	vst v63  }
0x4f: {  	_ =	swait.ge [sflag:s17], $0x6400  }
0x50: {  	[sflag:s17] =	ssyncset.done $0x0  }
0x51: {  	s24 =	rddreg [dreg:$0xc];
	[sflag:s17] =	ssyncadd.s32 $0xFFFF9C00  }
0x52: {  	[tilespmem:s11], [sflag:$0x7] =	stream.linear.gather [hbm4b:s24+s2], $0x640, $0x38;
	[tilespmem:$0x13EC0] =	vst v63  }
0x53: {  	_ =	swait.ge [sflag:s3], $0x640  }
0x54: {  	[sflag:s3] =	ssyncset.done $0x0  }
0x55: {  	[sflag:s3] =	ssyncadd.s32 $0xFFFFF9C0  }
0x56: {  	[tilespmem:s12], [sflag:$0x3] =	stream.indirect.gather [hbm4b:s4+s5], $0x10, s11, s5, $0xb8;
	[tilespmem:$0x13EC0] =	vst v63  }
0x57: {  	_ =	swait.ge [sflag:s13], $0x6400  }
0x58: {  	[sflag:s13] =	ssyncset.done $0x0  }
0x59: {  	s25 =	rddreg [dreg:$0xd];
	[sflag:s13] =	ssyncadd.s32 $0xFFFF9C00  }
0x5a: {  	[hbm4b:s25+s9] =	stream.strided.scatter [tilespmem:s7], [sflag:$0x5], $0x6400, s10, s9, $0x38;
	[tilespmem:$0x13EC0] =	vst v63  }
0x5b: {  	_ =	swait.ge [sflag:s14], $0x6400  }
0x5c: {  	[sflag:s14] =	ssyncset.done $0x0  }
0x5d: {  	s26 =	rddreg [dreg:$0xe];
	[sflag:s14] =	ssyncadd.s32 $0xFFFF9C00  }
0x5e: {  	[tilespmem:s2], [sflag:$0x7] =	stream.linear.gather [hbm4b:s26+s2], $0x640, $0x38;
	[tilespmem:$0x13EC0] =	vst v63  }
0x5f: {  	_ =	swait.ge [sflag:s3], $0x640  }
0x60: {  	[sflag:s3] =	ssyncset.done $0x0  }
0x61: {  	[sflag:s3] =	ssyncadd.s32 $0xFFFFF9C0  }
0x62: {  	[tilespmem:s6], [sflag:$0x1] =	stream.indirect.gather [hbm4b:s4+s5], $0x10, s2, s5, $0xb8;
	[tilespmem:$0x13EC0] =	vst v63  }
0x63: {  	_ =	swait.ge [sflag:s15], $0x6400  }
0x64: {  	[sflag:s15] =	ssyncset.done $0x0  }
0x65: {  	s0 =	rddreg [dreg:$0xf];
	[sflag:s15] =	ssyncadd.s32 $0xFFFF9C00  }
0x66: {  	[hbm4b:s0+s9] =	stream.strided.scatter [tilespmem:s12], [sflag:$0x6], $0x6400, s10, s9, $0x38;
	[tilespmem:$0x13EC0] =	vst v63  }
0x67: {  	_ =	swait.ge [sflag:s16], $0x6400  }
0x68: {  	[sflag:s16] =	ssyncset.done $0x0  }
0x69: {  	s1 =	rddreg [dreg:$0x10];
	[sflag:s16] =	ssyncadd.s32 $0xFFFF9C00  }
0x6a: {  	[tilespmem:s5], [sflag:$0x7] =	stream.linear.gather [hbm4b:s1+s2], $0x640, $0x38;
	[tilespmem:$0x13EC0] =	vst v63  }
0x6b: {  	_ =	swait.ge [sflag:s3], $0x640  }
0x6c: {  	[sflag:s3] =	ssyncset.done $0x0  }
0x6d: {  	[sflag:s3] =	ssyncadd.s32 $0xFFFFF9C0  }
0x6e: {  	[tilespmem:s7], [sflag:$0x2] =	stream.indirect.gather [hbm4b:s4+s5], $0x10, s5, s5, $0xb8;
	[tilespmem:$0x13EC0] =	vst v63  }
0x6f: {  	_ =	swait.ge [sflag:s8], $0x6400  }
0x70: {  	[sflag:s8] =	ssyncset.done $0x0  }
0x71: {  	s20 =	rddreg [dreg:$0x11];
	[sflag:s8] =	ssyncadd.s32 $0xFFFF9C00  }
0x72: {  	[hbm4b:s20+s9] =	stream.strided.scatter [tilespmem:s6], [sflag:$0x4], $0x6400, s10, s9, $0x38;
	[tilespmem:$0x13EC0] =	vst v63  }
0x73: {  	_ =	swait.ge [sflag:s17], $0x6400  }
0x74: {  	[sflag:s17] =	ssyncset.done $0x0  }
0x75: {  	s21 =	rddreg [dreg:$0x12];
	[sflag:s17] =	ssyncadd.s32 $0xFFFF9C00  }
0x76: {  	[tilespmem:s11], [sflag:$0x7] =	stream.linear.gather [hbm4b:s21+s2], $0x640, $0x38;
	[tilespmem:$0x13EC0] =	vst v63  }
0x77: {  	_ =	swait.ge [sflag:s3], $0x640  }
0x78: {  	[sflag:s3] =	ssyncset.done $0x0  }
0x79: {  	[sflag:s3] =	ssyncadd.s32 $0xFFFFF9C0  }
0x7a: {  	[tilespmem:s12], [sflag:$0x3] =	stream.indirect.gather [hbm4b:s4+s5], $0x10, s11, s5, $0xb8;
	[tilespmem:$0x13EC0] =	vst v63  }
0x7b: {  	_ =	swait.ge [sflag:s13], $0x6400  }
0x7c: {  	[sflag:s13] =	ssyncset.done $0x0  }
0x7d: {  	s22 =	rddreg [dreg:$0x13];
	[sflag:s13] =	ssyncadd.s32 $0xFFFF9C00  }
0x7e: {  	[hbm4b:s22+s9] =	stream.strided.scatter [tilespmem:s7], [sflag:$0x5], $0x6400, s10, s9, $0x38;
	[tilespmem:$0x13EC0] =	vst v63  }
0x7f: {  	_ =	swait.ge [sflag:s14], $0x6400  }
0x80: {  	[sflag:s14] =	ssyncset.done $0x0  }
0x81: {  	s23 =	rddreg [dreg:$0x14];
	[sflag:s14] =	ssyncadd.s32 $0xFFFF9C00  }
0x82: {  	[tilespmem:s2], [sflag:$0x7] =	stream.linear.gather [hbm4b:s23+s2], $0x640, $0x38;
	[tilespmem:$0x13EC0] =	vst v63  }
0x83: {  	_ =	swait.ge [sflag:s3], $0x640  }
0x84: {  	[sflag:s3] =	ssyncset.done $0x0  }
0x85: {  	[sflag:s3] =	ssyncadd.s32 $0xFFFFF9C0  }
0x86: {  	[tilespmem:s6], [sflag:$0x1] =	stream.indirect.gather [hbm4b:s4+s5], $0x10, s2, s5, $0xb8;
	[tilespmem:$0x13EC0] =	vst v63  }
0x87: {  	_ =	swait.ge [sflag:s15], $0x6400  }
0x88: {  	[sflag:s15] =	ssyncset.done $0x0  }
0x89: {  	s21 =	sadd.s32 $0x3E80, s30;
	s24 =	rddreg [dreg:$0x15];
	[sflag:s15] =	ssyncadd.s32 $0xFFFF9C00  }
0x8a: {  	[hbm4b:s24+s9] =	stream.strided.scatter [tilespmem:s12], [sflag:$0x6], $0x6400, s10, s9, $0x38;
	[tilespmem:$0x13EC0] =	vst v63  }
0x8b: {  	s25 =	sshrl.u32 s21, $0x3;
	_ =	swait.ge [sflag:s16], $0x6400  }
0x8c: {  	s26 =	sadd.s32 s29, s25;
	[sflag:s16] =	ssyncset.done $0x0  }
0x8d: {  	[dreg:$0x16] =	wrdreg s26;
	[sflag:s16] =	ssyncadd.s32 $0xFFFF9C00  }
0x8e: {  	[tilespmem:s5], [sflag:$0x7] =	stream.linear.gather [hbm4b:s26+s2], $0x640, $0x38;
	[tilespmem:$0x13EC0] =	vst v63  }
0x8f: {  	_ =	swait.ge [sflag:s3], $0x640  }
0x90: {  	[sflag:s3] =	ssyncset.done $0x0  }
0x91: {  	[sflag:s3] =	ssyncadd.s32 $0xFFFFF9C0  }
0x92: {  	[tilespmem:s7], [sflag:$0x2] =	stream.indirect.gather [hbm4b:s4+s5], $0x10, s5, s5, $0xb8;
	[tilespmem:$0x13EC0] =	vst v63  }
0x93: {  	_ =	swait.ge [sflag:s8], $0x6400  }
0x94: {  	s19 =	sshll.u32 s19, $0x4;
	[sflag:s8] =	ssyncset.done $0x0  }
0x95: {  	s19 =	sadd.s32 s31, s19;
	[sflag:s8] =	ssyncadd.s32 $0xFFFF9C00  }
0x96: {  	[hbm4b:s19+s9] =	stream.strided.scatter [tilespmem:s6], [sflag:$0x4], $0x6400, s10, s9, $0x38;
	[tilespmem:$0x13EC0] =	vst v63  }
0x97: {  	s23 =	sadd.s32 $0x44C0, s30;
	_ =	swait.ge [sflag:s17], $0x6400  }
0x98: {  	s20 =	sshrl.u32 s23, $0x3;
	[sflag:s17] =	ssyncset.done $0x0  }
0x99: {  	s20 =	sadd.s32 s29, s20;
	[sflag:s17] =	ssyncadd.s32 $0xFFFF9C00  }
0x9a: {  	[tilespmem:s11], [sflag:$0x7] =	stream.linear.gather [hbm4b:s20+s2], $0x640, $0x38;
	[tilespmem:$0x13EC0] =	vst v63  }
0x9b: {  	_ =	swait.ge [sflag:s3], $0x640  }
0x9c: {  	[sflag:s3] =	ssyncset.done $0x0  }
0x9d: {  	[sflag:s3] =	ssyncadd.s32 $0xFFFFF9C0  }
0x9e: {  	[tilespmem:s12], [sflag:$0x3] =	stream.indirect.gather [hbm4b:s4+s5], $0x10, s11, s5, $0xb8;
	[tilespmem:$0x13EC0] =	vst v63  }
0x9f: {  	_ =	swait.ge [sflag:s13], $0x6400  }
0xa0: {  	s21 =	sshll.u32 s21, $0x4;
	[sflag:s13] =	ssyncset.done $0x0  }
0xa1: {  	s21 =	sadd.s32 s31, s21;
	[sflag:s13] =	ssyncadd.s32 $0xFFFF9C00  }
0xa2: {  	[hbm4b:s21+s9] =	stream.strided.scatter [tilespmem:s7], [sflag:$0x5], $0x6400, s10, s9, $0x38;
	[tilespmem:$0x13EC0] =	vst v63  }
0xa3: {  	s25 =	sadd.s32 $0x4B00, s30;
	_ =	swait.ge [sflag:s14], $0x6400  }
0xa4: {  	s22 =	sshrl.u32 s25, $0x3;
	[sflag:s14] =	ssyncset.done $0x0  }
0xa5: {  	s22 =	sadd.s32 s29, s22;
	[sflag:s14] =	ssyncadd.s32 $0xFFFF9C00  }
0xa6: {  	[tilespmem:s2], [sflag:$0x7] =	stream.linear.gather [hbm4b:s22+s2], $0x640, $0x38;
	[tilespmem:$0x13EC0] =	vst v63  }
0xa7: {  	_ =	swait.ge [sflag:s3], $0x640  }
0xa8: {  	[sflag:s3] =	ssyncset.done $0x0  }
0xa9: {  	[sflag:s3] =	ssyncadd.s32 $0xFFFFF9C0  }
0xaa: {  	[tilespmem:s6], [sflag:$0x1] =	stream.indirect.gather [hbm4b:s4+s5], $0x10, s2, s5, $0xb8;
	[tilespmem:$0x13EC0] =	vst v63  }
0xab: {  	_ =	swait.ge [sflag:s15], $0x6400  }
0xac: {  	s23 =	sshll.u32 s23, $0x4;
	[sflag:s15] =	ssyncset.done $0x0  }
0xad: {  	s23 =	sadd.s32 s31, s23;
	[sflag:s15] =	ssyncadd.s32 $0xFFFF9C00  }
0xae: {  	[hbm4b:s23+s9] =	stream.strided.scatter [tilespmem:s12], [sflag:$0x6], $0x6400, s10, s9, $0x38;
	[tilespmem:$0x13EC0] =	vst v63  }
0xaf: {  	s28 =	sadd.s32 $0x5140, s30;
	_ =	swait.ge [sflag:s16], $0x6400  }
0xb0: {  	s24 =	sshrl.u32 s28, $0x3;
	[sflag:s16] =	ssyncset.done $0x0  }
0xb1: {  	s24 =	sadd.s32 s29, s24;
	[sflag:s16] =	ssyncadd.s32 $0xFFFF9C00  }
0xb2: {  	[tilespmem:s5], [sflag:$0x7] =	stream.linear.gather [hbm4b:s24+s2], $0x640, $0x38;
	[tilespmem:$0x13EC0] =	vst v63  }
0xb3: {  	_ =	swait.ge [sflag:s3], $0x640  }
0xb4: {  	[sflag:s3] =	ssyncset.done $0x0  }
0xb5: {  	[sflag:s3] =	ssyncadd.s32 $0xFFFFF9C0  }
0xb6: {  	[tilespmem:s7], [sflag:$0x2] =	stream.indirect.gather [hbm4b:s4+s5], $0x10, s5, s5, $0xb8;
	[tilespmem:$0x13EC0] =	vst v63  }
0xb7: {  	_ =	swait.ge [sflag:s8], $0x6400  }
0xb8: {  	s25 =	sshll.u32 s25, $0x4;
	[sflag:s8] =	ssyncset.done $0x0  }
0xb9: {  	s25 =	sadd.s32 s31, s25;
	[sflag:s8] =	ssyncadd.s32 $0xFFFF9C00  }
0xba: {  	[hbm4b:s25+s9] =	stream.strided.scatter [tilespmem:s6], [sflag:$0x4], $0x6400, s10, s9, $0x38;
	[tilespmem:$0x13EC0] =	vst v63  }
0xbb: {  	s0 =	sadd.s32 $0x5780, s30;
	_ =	swait.ge [sflag:s17], $0x6400  }
0xbc: {  	s26 =	sshrl.u32 s0, $0x3;
	[sflag:s17] =	ssyncset.done $0x0  }
0xbd: {  	s26 =	sadd.s32 s29, s26;
	[sflag:s17] =	ssyncadd.s32 $0xFFFF9C00  }
0xbe: {  	[tilespmem:s11], [sflag:$0x7] =	stream.linear.gather [hbm4b:s26+s2], $0x640, $0x38;
	[tilespmem:$0x13EC0] =	vst v63  }
0xbf: {  	_ =	swait.ge [sflag:s3], $0x640  }
0xc0: {  	[sflag:s3] =	ssyncset.done $0x0  }
0xc1: {  	[sflag:s3] =	ssyncadd.s32 $0xFFFFF9C0  }
0xc2: {  	[tilespmem:s12], [sflag:$0x3] =	stream.indirect.gather [hbm4b:s4+s5], $0x10, s11, s5, $0xb8;
	[tilespmem:$0x13EC0] =	vst v63  }
0xc3: {  	_ =	swait.ge [sflag:s13], $0x6400  }
0xc4: {  	s28 =	sshll.u32 s28, $0x4;
	[sflag:s13] =	ssyncset.done $0x0  }
0xc5: {  	s28 =	sadd.s32 s31, s28;
	[sflag:s13] =	ssyncadd.s32 $0xFFFF9C00  }
0xc6: {  	[hbm4b:s28+s9] =	stream.strided.scatter [tilespmem:s7], [sflag:$0x5], $0x6400, s10, s9, $0x38;
	[tilespmem:$0x13EC0] =	vst v63  }
0xc7: {  	s18 =	sadd.s32 $0x5DC0, s30;
	_ =	swait.ge [sflag:s14], $0x6400  }
0xc8: {  	s30 =	sshrl.u32 s18, $0x3;
	[sflag:s14] =	ssyncset.done $0x0  }
0xc9: {  	s29 =	sadd.s32 s29, s30;
	[sflag:s14] =	ssyncadd.s32 $0xFFFF9C00  }
0xca: {  	[tilespmem:s2], [sflag:$0x7] =	stream.linear.gather [hbm4b:s29+s2], $0x640, $0x38;
	[tilespmem:$0x13EC0] =	vst v63  }
0xcb: {  	_ =	swait.ge [sflag:s3], $0x640  }
0xcc: {  	[sflag:s3] =	ssyncset.done $0x0  }
0xcd: {  	[sflag:s3] =	ssyncadd.s32 $0xFFFFF9C0  }
0xce: {  	[tilespmem:s6], [sflag:$0x1] =	stream.indirect.gather [hbm4b:s4+s5], $0x10, s2, s5, $0xb8;
	[tilespmem:$0x13EC0] =	vst v63  }
0xcf: {  	_ =	swait.ge [sflag:s15], $0x6400  }
0xd0: {  	s1 =	sshll.u32 s0, $0x4;
	[sflag:s15] =	ssyncset.done $0x0  }
0xd1: {  	s30 =	sadd.s32 s31, s1;
	[sflag:s15] =	ssyncadd.s32 $0xFFFF9C00  }
0xd2: {  	[hbm4b:s30+s9] =	stream.strided.scatter [tilespmem:s12], [sflag:$0x6], $0x6400, s10, s9, $0x38;
	[tilespmem:$0x13EC0] =	vst v63  }
0xd3: {  	_ =	swait.ge [sflag:s8], $0x6400  }
0xd4: {  	s0 =	sshll.u32 s18, $0x4;
	[sflag:s8] =	ssyncset.done $0x0  }
0xd5: {  	s31 =	sadd.s32 s31, s0;
	[sflag:s8] =	ssyncadd.s32 $0xFFFF9C00  }
0xd6: {  	[hbm4b:s31+s9] =	stream.strided.scatter [tilespmem:s6], [sflag:$0x4], $0x6400, s10, s9, $0x38;
	[tilespmem:$0x13EC0] =	vst v63  }
0xd7: {  	_ =	swait.ge [sflag:s14], $0x6400  }
0xd8: {  	s1 =	rddreg [dreg:$0x17]  }
0xd9: {  	s0 =	ssub.s32 $0x2, s1  }
0xda: {  	s18 =	sshrl.u32 s0, $0x1  }
0xdb: {  	s0 =	ssub.s32 s0, s18  }
0xdc: {  	s0 =	smax.u32 s0, $0x1  }
0xdd: {  	[sflag:s14] =	ssyncset.done $0x0;
	p0 =	sne.s32 s0, $0x1  }
.Ltmp0:
0xde: {  	[sflag:s14] =	ssyncadd.s32 $0xFFFF9C00;
	(pc) =	sbr.rel @!p0 .LBB2_2-.Ltmp0, $4  }
0xdf: {  	_ =	swait.ge [sflag:s16], $0x6400  }
0xe0: {  	[sflag:s16] =	ssyncset.done $0x0  }
0xe1: {  	[sflag:s16] =	ssyncadd.s32 $0xFFFF9C00  }
0xe2: {  	s1 =	sadd.s32 $0xFFFFFFFF, s0;
	_ =	swait.ge [sflag:s17], $0x6400  }
.LBB2_1:
0xe3: {  	[sflag:s17] =	ssyncset.done $0x0  }
0xe4: {  	s0 =	rddreg [dreg:$0x3];
	[sflag:s17] =	ssyncadd.s32 $0xFFFF9C00  }
0xe5: {  	[tilespmem:s2], [sflag:$0x7] =	stream.linear.gather [hbm4b:s0+s2], $0x640, $0x38;
	[tilespmem:$0x13EC0] =	vst v63  }
0xe6: {  	_ =	swait.ge [sflag:s3], $0x640  }
0xe7: {  	[sflag:s3] =	ssyncset.done $0x0  }
0xe8: {  	[sflag:s3] =	ssyncadd.s32 $0xFFFFF9C0  }
0xe9: {  	[tilespmem:s6], [sflag:$0x1] =	stream.indirect.gather [hbm4b:s4+s5], $0x10, s2, s5, $0xb8;
	[tilespmem:$0x13EC0] =	vst v63  }
0xea: {  	s18 =	rddreg [dreg:$0x4]  }
0xeb: {  	[tilespmem:s5], [sflag:$0x7] =	stream.linear.gather [hbm4b:s18+s2], $0x640, $0x38;
	[tilespmem:$0x13EC0] =	vst v63  }
0xec: {  	_ =	swait.ge [sflag:s3], $0x640  }
0xed: {  	[sflag:s3] =	ssyncset.done $0x0  }
0xee: {  	[sflag:s3] =	ssyncadd.s32 $0xFFFFF9C0  }
0xef: {  	[tilespmem:s7], [sflag:$0x2] =	stream.indirect.gather [hbm4b:s4+s5], $0x10, s5, s5, $0xb8;
	[tilespmem:$0x13EC0] =	vst v63  }
0xf0: {  	_ =	swait.ge [sflag:s8], $0x6400  }
0xf1: {  	[sflag:s8] =	ssyncset.done $0x0  }
0xf2: {  	s0 =	rddreg [dreg:$0x5];
	[sflag:s8] =	ssyncadd.s32 $0xFFFF9C00  }
0xf3: {  	[hbm4b:s0+s9] =	stream.strided.scatter [tilespmem:s6], [sflag:$0x4], $0x6400, s10, s9, $0x38;
	[tilespmem:$0x13EC0] =	vst v63  }
0xf4: {  	s18 =	rddreg [dreg:$0x6]  }
0xf5: {  	[tilespmem:s11], [sflag:$0x7] =	stream.linear.gather [hbm4b:s18+s2], $0x640, $0x38;
	[tilespmem:$0x13EC0] =	vst v63  }
0xf6: {  	_ =	swait.ge [sflag:s3], $0x640  }
0xf7: {  	[sflag:s3] =	ssyncset.done $0x0  }
0xf8: {  	[sflag:s3] =	ssyncadd.s32 $0xFFFFF9C0  }
0xf9: {  	[tilespmem:s12], [sflag:$0x3] =	stream.indirect.gather [hbm4b:s4+s5], $0x10, s11, s5, $0xb8;
	[tilespmem:$0x13EC0] =	vst v63  }
0xfa: {  	_ =	swait.ge [sflag:s13], $0x6400  }
0xfb: {  	[sflag:s13] =	ssyncset.done $0x0  }
0xfc: {  	s18 =	rddreg [dreg:$0x7];
	[sflag:s13] =	ssyncadd.s32 $0xFFFF9C00  }
0xfd: {  	[hbm4b:s18+s9] =	stream.strided.scatter [tilespmem:s7], [sflag:$0x5], $0x6400, s10, s9, $0x38;
	[tilespmem:$0x13EC0] =	vst v63  }
0xfe: {  	_ =	swait.ge [sflag:s14], $0x6400  }
0xff: {  	[sflag:s14] =	ssyncset.done $0x0  }
0x100: {  	s18 =	rddreg [dreg:$0x8];
	[sflag:s14] =	ssyncadd.s32 $0xFFFF9C00  }
0x101: {  	[tilespmem:s2], [sflag:$0x7] =	stream.linear.gather [hbm4b:s18+s2], $0x640, $0x38;
	[tilespmem:$0x13EC0] =	vst v63  }
0x102: {  	_ =	swait.ge [sflag:s3], $0x640  }
0x103: {  	[sflag:s3] =	ssyncset.done $0x0  }
0x104: {  	[sflag:s3] =	ssyncadd.s32 $0xFFFFF9C0  }
0x105: {  	[tilespmem:s6], [sflag:$0x1] =	stream.indirect.gather [hbm4b:s4+s5], $0x10, s2, s5, $0xb8;
	[tilespmem:$0x13EC0] =	vst v63  }
0x106: {  	_ =	swait.ge [sflag:s15], $0x6400  }
0x107: {  	[sflag:s15] =	ssyncset.done $0x0  }
0x108: {  	s18 =	rddreg [dreg:$0x9];
	[sflag:s15] =	ssyncadd.s32 $0xFFFF9C00  }
0x109: {  	[hbm4b:s18+s9] =	stream.strided.scatter [tilespmem:s12], [sflag:$0x6], $0x6400, s10, s9, $0x38;
	[tilespmem:$0x13EC0] =	vst v63  }
0x10a: {  	_ =	swait.ge [sflag:s16], $0x6400  }
0x10b: {  	[sflag:s16] =	ssyncset.done $0x0  }
0x10c: {  	s18 =	rddreg [dreg:$0xa];
	[sflag:s16] =	ssyncadd.s32 $0xFFFF9C00  }
0x10d: {  	[tilespmem:s5], [sflag:$0x7] =	stream.linear.gather [hbm4b:s18+s2], $0x640, $0x38;
	[tilespmem:$0x13EC0] =	vst v63  }
0x10e: {  	_ =	swait.ge [sflag:s3], $0x640  }
0x10f: {  	[sflag:s3] =	ssyncset.done $0x0  }
0x110: {  	[sflag:s3] =	ssyncadd.s32 $0xFFFFF9C0  }
0x111: {  	[tilespmem:s7], [sflag:$0x2] =	stream.indirect.gather [hbm4b:s4+s5], $0x10, s5, s5, $0xb8;
	[tilespmem:$0x13EC0] =	vst v63  }
0x112: {  	_ =	swait.ge [sflag:s8], $0x6400  }
0x113: {  	[sflag:s8] =	ssyncset.done $0x0  }
0x114: {  	s18 =	rddreg [dreg:$0xb];
	[sflag:s8] =	ssyncadd.s32 $0xFFFF9C00  }
0x115: {  	[hbm4b:s18+s9] =	stream.strided.scatter [tilespmem:s6], [sflag:$0x4], $0x6400, s10, s9, $0x38;
	[tilespmem:$0x13EC0] =	vst v63  }
0x116: {  	_ =	swait.ge [sflag:s17], $0x6400  }
0x117: {  	[sflag:s17] =	ssyncset.done $0x0  }
0x118: {  	s18 =	rddreg [dreg:$0xc];
	[sflag:s17] =	ssyncadd.s32 $0xFFFF9C00  }
0x119: {  	[tilespmem:s11], [sflag:$0x7] =	stream.linear.gather [hbm4b:s18+s2], $0x640, $0x38;
	[tilespmem:$0x13EC0] =	vst v63  }
0x11a: {  	_ =	swait.ge [sflag:s3], $0x640  }
0x11b: {  	[sflag:s3] =	ssyncset.done $0x0  }
0x11c: {  	[sflag:s3] =	ssyncadd.s32 $0xFFFFF9C0  }
0x11d: {  	[tilespmem:s12], [sflag:$0x3] =	stream.indirect.gather [hbm4b:s4+s5], $0x10, s11, s5, $0xb8;
	[tilespmem:$0x13EC0] =	vst v63  }
0x11e: {  	_ =	swait.ge [sflag:s13], $0x6400  }
0x11f: {  	[sflag:s13] =	ssyncset.done $0x0  }
0x120: {  	s18 =	rddreg [dreg:$0xd];
	[sflag:s13] =	ssyncadd.s32 $0xFFFF9C00  }
0x121: {  	[hbm4b:s18+s9] =	stream.strided.scatter [tilespmem:s7], [sflag:$0x5], $0x6400, s10, s9, $0x38;
	[tilespmem:$0x13EC0] =	vst v63  }
0x122: {  	_ =	swait.ge [sflag:s14], $0x6400  }
0x123: {  	[sflag:s14] =	ssyncset.done $0x0  }
0x124: {  	s18 =	rddreg [dreg:$0xe];
	[sflag:s14] =	ssyncadd.s32 $0xFFFF9C00  }
0x125: {  	[tilespmem:s2], [sflag:$0x7] =	stream.linear.gather [hbm4b:s18+s2], $0x640, $0x38;
	[tilespmem:$0x13EC0] =	vst v63  }
0x126: {  	_ =	swait.ge [sflag:s3], $0x640  }
0x127: {  	[sflag:s3] =	ssyncset.done $0x0  }
0x128: {  	[sflag:s3] =	ssyncadd.s32 $0xFFFFF9C0  }
0x129: {  	[tilespmem:s6], [sflag:$0x1] =	stream.indirect.gather [hbm4b:s4+s5], $0x10, s2, s5, $0xb8;
	[tilespmem:$0x13EC0] =	vst v63  }
0x12a: {  	_ =	swait.ge [sflag:s15], $0x6400  }
0x12b: {  	[sflag:s15] =	ssyncset.done $0x0  }
0x12c: {  	s18 =	rddreg [dreg:$0xf];
	[sflag:s15] =	ssyncadd.s32 $0xFFFF9C00  }
0x12d: {  	[hbm4b:s18+s9] =	stream.strided.scatter [tilespmem:s12], [sflag:$0x6], $0x6400, s10, s9, $0x38;
	[tilespmem:$0x13EC0] =	vst v63  }
0x12e: {  	_ =	swait.ge [sflag:s16], $0x6400  }
0x12f: {  	[sflag:s16] =	ssyncset.done $0x0  }
0x130: {  	s18 =	rddreg [dreg:$0x10];
	[sflag:s16] =	ssyncadd.s32 $0xFFFF9C00  }
0x131: {  	[tilespmem:s5], [sflag:$0x7] =	stream.linear.gather [hbm4b:s18+s2], $0x640, $0x38;
	[tilespmem:$0x13EC0] =	vst v63  }
0x132: {  	_ =	swait.ge [sflag:s3], $0x640  }
0x133: {  	[sflag:s3] =	ssyncset.done $0x0  }
0x134: {  	[sflag:s3] =	ssyncadd.s32 $0xFFFFF9C0  }
0x135: {  	[tilespmem:s7], [sflag:$0x2] =	stream.indirect.gather [hbm4b:s4+s5], $0x10, s5, s5, $0xb8;
	[tilespmem:$0x13EC0] =	vst v63  }
0x136: {  	_ =	swait.ge [sflag:s8], $0x6400  }
0x137: {  	[sflag:s8] =	ssyncset.done $0x0  }
0x138: {  	s18 =	rddreg [dreg:$0x11];
	[sflag:s8] =	ssyncadd.s32 $0xFFFF9C00  }
0x139: {  	[hbm4b:s18+s9] =	stream.strided.scatter [tilespmem:s6], [sflag:$0x4], $0x6400, s10, s9, $0x38;
	[tilespmem:$0x13EC0] =	vst v63  }
0x13a: {  	_ =	swait.ge [sflag:s17], $0x6400  }
0x13b: {  	[sflag:s17] =	ssyncset.done $0x0  }
0x13c: {  	s18 =	rddreg [dreg:$0x12];
	[sflag:s17] =	ssyncadd.s32 $0xFFFF9C00  }
0x13d: {  	[tilespmem:s11], [sflag:$0x7] =	stream.linear.gather [hbm4b:s18+s2], $0x640, $0x38;
	[tilespmem:$0x13EC0] =	vst v63  }
0x13e: {  	_ =	swait.ge [sflag:s3], $0x640  }
0x13f: {  	[sflag:s3] =	ssyncset.done $0x0  }
0x140: {  	[sflag:s3] =	ssyncadd.s32 $0xFFFFF9C0  }
0x141: {  	[tilespmem:s12], [sflag:$0x3] =	stream.indirect.gather [hbm4b:s4+s5], $0x10, s11, s5, $0xb8;
	[tilespmem:$0x13EC0] =	vst v63  }
0x142: {  	_ =	swait.ge [sflag:s13], $0x6400  }
0x143: {  	[sflag:s13] =	ssyncset.done $0x0  }
0x144: {  	s18 =	rddreg [dreg:$0x13];
	[sflag:s13] =	ssyncadd.s32 $0xFFFF9C00  }
0x145: {  	[hbm4b:s18+s9] =	stream.strided.scatter [tilespmem:s7], [sflag:$0x5], $0x6400, s10, s9, $0x38;
	[tilespmem:$0x13EC0] =	vst v63  }
0x146: {  	_ =	swait.ge [sflag:s14], $0x6400  }
0x147: {  	[sflag:s14] =	ssyncset.done $0x0  }
0x148: {  	s18 =	rddreg [dreg:$0x14];
	[sflag:s14] =	ssyncadd.s32 $0xFFFF9C00  }
0x149: {  	[tilespmem:s2], [sflag:$0x7] =	stream.linear.gather [hbm4b:s18+s2], $0x640, $0x38;
	[tilespmem:$0x13EC0] =	vst v63  }
0x14a: {  	_ =	swait.ge [sflag:s3], $0x640  }
0x14b: {  	[sflag:s3] =	ssyncset.done $0x0  }
0x14c: {  	[sflag:s3] =	ssyncadd.s32 $0xFFFFF9C0  }
0x14d: {  	[tilespmem:s6], [sflag:$0x1] =	stream.indirect.gather [hbm4b:s4+s5], $0x10, s2, s5, $0xb8;
	[tilespmem:$0x13EC0] =	vst v63  }
0x14e: {  	_ =	swait.ge [sflag:s15], $0x6400  }
0x14f: {  	[sflag:s15] =	ssyncset.done $0x0  }
0x150: {  	s18 =	rddreg [dreg:$0x15];
	[sflag:s15] =	ssyncadd.s32 $0xFFFF9C00  }
0x151: {  	[hbm4b:s18+s9] =	stream.strided.scatter [tilespmem:s12], [sflag:$0x6], $0x6400, s10, s9, $0x38;
	[tilespmem:$0x13EC0] =	vst v63  }
0x152: {  	_ =	swait.ge [sflag:s16], $0x6400  }
0x153: {  	[sflag:s16] =	ssyncset.done $0x0  }
0x154: {  	s18 =	rddreg [dreg:$0x16];
	[sflag:s16] =	ssyncadd.s32 $0xFFFF9C00  }
0x155: {  	[tilespmem:s5], [sflag:$0x7] =	stream.linear.gather [hbm4b:s18+s2], $0x640, $0x38;
	[tilespmem:$0x13EC0] =	vst v63  }
0x156: {  	_ =	swait.ge [sflag:s3], $0x640  }
0x157: {  	[sflag:s3] =	ssyncset.done $0x0  }
0x158: {  	[sflag:s3] =	ssyncadd.s32 $0xFFFFF9C0  }
0x159: {  	[tilespmem:s7], [sflag:$0x2] =	stream.indirect.gather [hbm4b:s4+s5], $0x10, s5, s5, $0xb8;
	[tilespmem:$0x13EC0] =	vst v63  }
0x15a: {  	_ =	swait.ge [sflag:s8], $0x6400  }
0x15b: {  	[sflag:s8] =	ssyncset.done $0x0  }
0x15c: {  	[sflag:s8] =	ssyncadd.s32 $0xFFFF9C00  }
0x15d: {  	[hbm4b:s19+s9] =	stream.strided.scatter [tilespmem:s6], [sflag:$0x4], $0x6400, s10, s9, $0x38;
	[tilespmem:$0x13EC0] =	vst v63  }
0x15e: {  	_ =	swait.ge [sflag:s17], $0x6400  }
0x15f: {  	[sflag:s17] =	ssyncset.done $0x0  }
0x160: {  	[sflag:s17] =	ssyncadd.s32 $0xFFFF9C00  }
0x161: {  	[tilespmem:s11], [sflag:$0x7] =	stream.linear.gather [hbm4b:s20+s2], $0x640, $0x38;
	[tilespmem:$0x13EC0] =	vst v63  }
0x162: {  	_ =	swait.ge [sflag:s3], $0x640  }
0x163: {  	[sflag:s3] =	ssyncset.done $0x0  }
0x164: {  	[sflag:s3] =	ssyncadd.s32 $0xFFFFF9C0  }
0x165: {  	[tilespmem:s12], [sflag:$0x3] =	stream.indirect.gather [hbm4b:s4+s5], $0x10, s11, s5, $0xb8;
	[tilespmem:$0x13EC0] =	vst v63  }
0x166: {  	_ =	swait.ge [sflag:s13], $0x6400  }
0x167: {  	[sflag:s13] =	ssyncset.done $0x0  }
0x168: {  	[sflag:s13] =	ssyncadd.s32 $0xFFFF9C00  }
0x169: {  	[hbm4b:s21+s9] =	stream.strided.scatter [tilespmem:s7], [sflag:$0x5], $0x6400, s10, s9, $0x38;
	[tilespmem:$0x13EC0] =	vst v63  }
0x16a: {  	_ =	swait.ge [sflag:s14], $0x6400  }
0x16b: {  	[sflag:s14] =	ssyncset.done $0x0  }
0x16c: {  	[sflag:s14] =	ssyncadd.s32 $0xFFFF9C00  }
0x16d: {  	[tilespmem:s2], [sflag:$0x7] =	stream.linear.gather [hbm4b:s22+s2], $0x640, $0x38;
	[tilespmem:$0x13EC0] =	vst v63  }
0x16e: {  	_ =	swait.ge [sflag:s3], $0x640  }
0x16f: {  	[sflag:s3] =	ssyncset.done $0x0  }
0x170: {  	[sflag:s3] =	ssyncadd.s32 $0xFFFFF9C0  }
0x171: {  	[tilespmem:s6], [sflag:$0x1] =	stream.indirect.gather [hbm4b:s4+s5], $0x10, s2, s5, $0xb8;
	[tilespmem:$0x13EC0] =	vst v63  }
0x172: {  	_ =	swait.ge [sflag:s15], $0x6400  }
0x173: {  	[sflag:s15] =	ssyncset.done $0x0  }
0x174: {  	[sflag:s15] =	ssyncadd.s32 $0xFFFF9C00  }
0x175: {  	[hbm4b:s23+s9] =	stream.strided.scatter [tilespmem:s12], [sflag:$0x6], $0x6400, s10, s9, $0x38;
	[tilespmem:$0x13EC0] =	vst v63  }
0x176: {  	_ =	swait.ge [sflag:s16], $0x6400  }
0x177: {  	[sflag:s16] =	ssyncset.done $0x0  }
0x178: {  	[sflag:s16] =	ssyncadd.s32 $0xFFFF9C00  }
0x179: {  	[tilespmem:s5], [sflag:$0x7] =	stream.linear.gather [hbm4b:s24+s2], $0x640, $0x38;
	[tilespmem:$0x13EC0] =	vst v63  }
0x17a: {  	_ =	swait.ge [sflag:s3], $0x640  }
0x17b: {  	[sflag:s3] =	ssyncset.done $0x0  }
0x17c: {  	[sflag:s3] =	ssyncadd.s32 $0xFFFFF9C0  }
0x17d: {  	[tilespmem:s7], [sflag:$0x2] =	stream.indirect.gather [hbm4b:s4+s5], $0x10, s5, s5, $0xb8;
	[tilespmem:$0x13EC0] =	vst v63  }
0x17e: {  	_ =	swait.ge [sflag:s8], $0x6400  }
0x17f: {  	[sflag:s8] =	ssyncset.done $0x0  }
0x180: {  	[sflag:s8] =	ssyncadd.s32 $0xFFFF9C00  }
0x181: {  	[hbm4b:s25+s9] =	stream.strided.scatter [tilespmem:s6], [sflag:$0x4], $0x6400, s10, s9, $0x38;
	[tilespmem:$0x13EC0] =	vst v63  }
0x182: {  	_ =	swait.ge [sflag:s17], $0x6400  }
0x183: {  	[sflag:s17] =	ssyncset.done $0x0  }
0x184: {  	[sflag:s17] =	ssyncadd.s32 $0xFFFF9C00  }
0x185: {  	[tilespmem:s11], [sflag:$0x7] =	stream.linear.gather [hbm4b:s26+s2], $0x640, $0x38;
	[tilespmem:$0x13EC0] =	vst v63  }
0x186: {  	_ =	swait.ge [sflag:s3], $0x640  }
0x187: {  	[sflag:s3] =	ssyncset.done $0x0  }
0x188: {  	[sflag:s3] =	ssyncadd.s32 $0xFFFFF9C0  }
0x189: {  	[tilespmem:s12], [sflag:$0x3] =	stream.indirect.gather [hbm4b:s4+s5], $0x10, s11, s5, $0xb8;
	[tilespmem:$0x13EC0] =	vst v63  }
0x18a: {  	_ =	swait.ge [sflag:s13], $0x6400  }
0x18b: {  	[sflag:s13] =	ssyncset.done $0x0  }
0x18c: {  	[sflag:s13] =	ssyncadd.s32 $0xFFFF9C00  }
0x18d: {  	[hbm4b:s28+s9] =	stream.strided.scatter [tilespmem:s7], [sflag:$0x5], $0x6400, s10, s9, $0x38;
	[tilespmem:$0x13EC0] =	vst v63  }
0x18e: {  	_ =	swait.ge [sflag:s14], $0x6400  }
0x18f: {  	[sflag:s14] =	ssyncset.done $0x0  }
0x190: {  	[sflag:s14] =	ssyncadd.s32 $0xFFFF9C00  }
0x191: {  	[tilespmem:s2], [sflag:$0x7] =	stream.linear.gather [hbm4b:s29+s2], $0x640, $0x38;
	[tilespmem:$0x13EC0] =	vst v63  }
0x192: {  	_ =	swait.ge [sflag:s3], $0x640  }
0x193: {  	[sflag:s3] =	ssyncset.done $0x0  }
0x194: {  	[sflag:s3] =	ssyncadd.s32 $0xFFFFF9C0  }
0x195: {  	[tilespmem:s6], [sflag:$0x1] =	stream.indirect.gather [hbm4b:s4+s5], $0x10, s2, s5, $0xb8;
	[tilespmem:$0x13EC0] =	vst v63  }
0x196: {  	_ =	swait.ge [sflag:s15], $0x6400  }
0x197: {  	[sflag:s15] =	ssyncset.done $0x0  }
0x198: {  	[sflag:s15] =	ssyncadd.s32 $0xFFFF9C00  }
0x199: {  	[hbm4b:s30+s9] =	stream.strided.scatter [tilespmem:s12], [sflag:$0x6], $0x6400, s10, s9, $0x38;
	[tilespmem:$0x13EC0] =	vst v63  }
0x19a: {  	_ =	swait.ge [sflag:s8], $0x6400  }
0x19b: {  	[sflag:s8] =	ssyncset.done $0x0  }
0x19c: {  	[sflag:s8] =	ssyncadd.s32 $0xFFFF9C00  }
0x19d: {  	[hbm4b:s31+s9] =	stream.strided.scatter [tilespmem:s6], [sflag:$0x4], $0x6400, s10, s9, $0x38;
	[tilespmem:$0x13EC0] =	vst v63  }
0x19e: {  	_ =	swait.ge [sflag:s14], $0x6400  }
0x19f: {  	p0 =	sne.s32 s1, $0x1;
	[sflag:s14] =	ssyncset.done $0x0  }
.Ltmp1:
0x1a0: {  	[sflag:s14] =	ssyncadd.s32 $0xFFFF9C00;
	(pc) =	sbr.rel @p0 .LBB2_1-.Ltmp1, $4  }
0x1a1: {  	_ =	swait.ge [sflag:s16], $0x6400  }
0x1a2: {  	[sflag:s16] =	ssyncset.done $0x0  }
0x1a3: {  	[sflag:s16] =	ssyncadd.s32 $0xFFFF9C00  }
0x1a4: {  	s1 =	sadd.s32 $0xFFFFFFFF, s1;
	_ =	swait.ge [sflag:s17], $0x6400  }
.LBB2_2:
0x1a5: {  	[sflag:s17] =	ssyncset.done $0x0  }
0x1a6: {  	[sflag:s17] =	ssyncadd.s32 $0xFFFF9C00  }
0x1a7: {  	_ =	sfence.sel $0x180000  }
0x1a8: {  	[bflag:$0x0] =	sbarrier.arrive $0xFFFF  }
0x1a9: {  	_ =	strace $0x90000047  }
0x1aa: {  	s0 =	stileid.u32;
	[bflag:$0x2] =	sbarrier.arrive $0xFFFF  }
0x1ab: {  	p0 =	sne.s32 s0, $0x0;
	s0 =	rddreg [dreg:$0x2]  }
0x1ac: {  	s0 =	sadd.s32 @!p0 $0x100000, s0  }
0x1ad: {  	[sflag:s0] =	ssyncadd.tile.s32 @!p0 $0x1;
	_ =	shalt  }
.Lfunc_end2:
_tile_overlayer_lowered:
.L_overlay_start_2:
0x1ae: {  	(tag) =	ssettag $0x2  }
0x1af: {  	s0 =	rddreg [dreg:$0x0];
	s2 =	stileid.u32  }
0x1b0: {  	s1 =	rddreg [dreg:$0x1];
	p0 =	sne.s32 s2, $0x0  }
0x1b1: {  	s3 =	rddreg [dreg:$0x2];
	[bflag:$0x3] =	sbarrier.arrive $0xFFFF;
	s2 =	simm.s32 @!p0 $0x1C07  }
0x1b2: {  	[timem:s3], [sflag:s2] =	dma.local @!p0 [hbm:s0], s1  }
0x1b3: {  	s0 =	simm.s32 @!p0 $0x7  }
0x1b4: {  	_ =	swait.ge @!p0 [sflag:s0], s1  }
0x1b5: {  	s1 =	ssub.s32 @!p0 $0x0, s1;
	[sflag:s0] =	ssyncset.done @!p0 $0x0  }
0x1b6: {  	[sflag:s0] =	ssyncadd.s32 @!p0 s1  }
0x1b7: {  	[bflag:$0x3] =	sbarrier.arrive $0xFFFF  }
0x1b8: {  	_ =	shalt  }

// kernel: sparse-core-data-format-call.cloned.1.call-start
scs
called_computation_lowered:
.L_overlay_start_0:
0x0: {  	s2 =	sld [smem:$0x3FD9]  }
0x1: {  	s3 =	sld [smem:$0x3FFE];
	_ =	sdelay $0x1  }
0x2: {  	s1 =	srdreg.scid  }
0x3: {  	s0 =	sand.u32 $0x1, s1  }
0x4: {  	s18 =	sshll.u32 s0, $0xA;
	s2 =	sadd.s32 s3, s2  }
0x5: {  	s2 =	sadd.s32 s2, s18  }
0x6: {  	[smem:$0x3FC6] =	sst s2  }
0x7: {  	_ = 	snop  }
0x8: {  	s2 =	sld [smem:$0x3FD0];
	(tm) =	ssettm $0x1  }
0x9: {  	s19 =	sld [smem:$0x3FFB];
	_ =	sdelay $0x3  }
0xa: {  	_ =	strace s19  }
0xb: {  	s3 =	sld [smem:$0x3FFC];
	_ =	sdelay $0x3  }
0xc: {  	_ =	strace s3  }
0xd: {  	s3 =	sld [smem:$0x3FFD];
	_ =	sdelay $0x3  }
0xe: {  	_ =	strace s3  }
0xf: {  	_ =	strace $0x8FFFFFFF  }
0x10: {  	s20 =	sld [smem:$0x3FDB];
	_ =	sdelay $0x1  }
0x11: {  	s4 =	simm.s32 $_scs_section_size  }
0x12: {  	s5 =	simm.s32 $_size__tile_overlayer_lowered;
	s6 =	simm.s32 $_tile_overlayer_lowered  }
0x13: {  	s23 =	simm.s32 $0x1BFF;
	s22 =	sshll.u32 s6, $0x1;
	s3 =	sadd.s32 s4, s20  }
0x14: {  	s7 =	simm.s32 $0x0;
	s21 =	sshll.u32 s5, $0x1;
	s5 =	sadd.s32 s22, s3  }
0x15: {  	[timem:s7], [sflag:s23] =	dma.local [hbm:s5], s21  }
0x16: {  	_ =	swait.ge [sflag:s23], s21  }
0x17: {  	s4 =	ssub.s32 $0x0, s21;
	[sflag:s23] =	ssyncset.done $0x0  }
0x18: {  	[sflag:s23] =	ssyncadd.s32 s4;
	_ =	sdelay $0x1  }
0x19: {  	s24 =	simm.s32 $0x1B8B  }
0x1a: {  	_ =	swait.ge [sflag:s24], $0x1  }
0x1b: {  	[sflag:s24] =	ssyncset.done $0x0  }
0x1c: {  	s26 =	simm.s32 $0x1B8E;
	s25 =	sld [smem:$0x3FFE];
	[sflag:s24] =	ssyncadd.s32 $0xFFFFFFFF  }
0x1d: {  	s27 =	simm.s32 $execute0_lowered;
	[smem:$0x3FD2] =	sst s26  }
0x1e: {  	s5 =	sshll.u32 s27, $0x1;
	_ =	strace $0x80000049;
	[dreg:$0x1] =	wrdreg $0xFFFFFFFF  }
0x1f: {  	s28 =	simm.s32 $_size_execute0_lowered;
	s3 =	sadd.s32 s3, s5;
	[dreg:$0x0] =	wrdreg $0x0  }
0x20: {  	s5 =	sshll.u32 s28, $0x1;
	[dreg:$0x2] =	wrdreg s3  }
0x21: {  	[dreg:$0x3] =	wrdreg s5  }
0x22: {  	[dreg:$0x4] =	wrdreg $0xC0  }
0x23: {  	_ =	task [dreg:s7], $0x5FFFF  }
0x24: {  	[dreg:$0x1] =	wrdreg $0xFFFFFFFF  }
0x25: {  	[dreg:$0x0] =	wrdreg $0x60  }
0x26: {  	[dreg:$0x2] =	wrdreg s25  }
0x27: {  	[dreg:$0x3] =	wrdreg s2  }
0x28: {  	[dreg:$0x4] =	wrdreg $0x9  }
0x29: {  	_ =	task.clear_ibuf [dreg:s7], $0x5FFFF;
	_ =	strace $0x90000049  }
0x2a: {  	s29 =	simm.s32 $0x9;
	_ =	strace $0x8000004B  }
0x2b: {  	_ =	swait.ge [sflag:s29], $0x1  }
0x2c: {  	[sflag:s29] =	ssyncadd.s32 $0xFFFFFFFF  }
0x2d: {  	_ =	strace $0x9000004B  }
0x2e: {  	_ =	sfence  }
0x2f: {  	s30 =	sld [smem:$0x0];
	_ =	sdelay $0x2  }
0x30: {  	s31 =	sshll.u32 s1, $0xD;
	s1 =	sshrl.u32 s1, $0x2  }
0x31: {  	s3 =	sand.u32 $0x4000, s31;
	s1 =	sadd.s32 s1, s30  }
0x32: {  	s0 =	sor.u32 s3, s0;
	s1 =	sshll.u32 s1, $0x11  }
0x33: {  	s0 =	sor.u32 s1, s0  }
0x34: {  	s0 =	sadd.s32 $0x8F2B, s0  }
0x35: {  	[sflag:s0] =	ssyncadd.remote.s32 $0x1  }
0x36: {  	_ =	sfence.sel $0xFFFF  }
0x37: {  	[dreg:$0x0] =	wrdreg $0xFFFFFFFF;
	(pc) =	sbr.abs _section_cstart, $3  }
0x38: {  	[dreg:$0x1] =	wrdreg $0xFFFFFFFF  }
0x39: {  	_ =	task.clear_ibuf [dreg:s7], $0x2FFFF;
	_ =	strace $0x9FFFFFFF  }
0x3a: {  	(tm) =	ssettm $0x7FFFFFFF  }
0x3b: {  	_ =	shalt  }
tec
execute0_lowered:
.L_overlay_start_1:
0x0: {  	(tag) =	ssettag $0x1  }
0x1: {  	s0 =	srdreg.scid  }
0x2: {  	s1 =	sshll.u32 s0, $0x4  }
0x3: {  	s0 =	stileid.u32;
	s1 =	sand.u32 $0x10, s1  }
0x4: {  	s1 =	sor.u32 s0, s1  }
0x5: {  	s6 =	rddreg [dreg:$0x0];
	s4 =	simm.s32 $0x1;
	s2 =	sshll.u32 s1, $0x7  }
0x6: {  	s7 =	simm.s32 $0x2;
	s12 =	simm.s32 $0x0;
	s1 =	ssub.s32 $0x1000, s2  }
0x7: {  	s8 =	simm.s32 $0x8000;
	s13 =	simm.s32 $0x0;
	s3 =	sand.u32 $0xF80, s1  }
0x8: {  	s9 =	simm.s32 $0x0;
	s5 =	sshrl.u32 s1, $0xC;
	p0 =	sne.s32 s3, $0x0  }
.Ltmp0:
0x9: {  	s1 =	rddreg [dreg:$0x2];
	s4 =	simm.s32 @!p0 $0x0;
	(pc) =	sbr.rel .LBB1_1-.Ltmp0, $4  }
0xa: {  	s11 =	simm.s32 $0x0;
	s3 =	rddreg [dreg:$0x1];
	s5 =	sadd.s32 s4, s5  }
0xb: {  	_ =	strace $0x8000004A;
	s4 =	simm.s32 $0x1;
	s5 =	smul.u32 $0xC8, s5  }
0xc: {  	s6 =	sadd.s32 $0xA00, s6;
	s10 =	smov.u32 s2;
	[sflag:s4] =	ssyncpa.u1 $0x0  }
0xd: {  	p0 =	por $0x0, $0x0;
	[sflag:s7] =	ssyncpa.u1 $0x0;
	s7 =	sor.u32 $0x1, s5  }
.LBB1_4:
0xe: {  	s16 =	sshll.u32 s13, $0x3;
	s17 =	sand.u32 $0x78, s13  }
0xf: {  	s30 =	sand.u32 $0x1E00, s13;
	s12 =	sshll.u32 s12, $0xD;
	s16 =	sand.u32 $0xC00, s16  }
0x10: {  	s31 =	sand.u32 $0x7, s13;
	s16 =	sor.u32 s17, s16;
	s17 =	sadd.s32 s3, s30  }
0x11: {  	s13 =	sshll.u32 s31, $0x12;
	s16 =	sshrl.u32 s16, $0x3;
	s12 =	sadd.s32 s12, s17  }
0x12: {  	[tilespmem:s15+$0x0 ss:$0x81] =	vst.msk $0xffff, v1;
	s13 =	sor.u32 $0x400, s13;
	s12 =	sadd.s32 s16, s12  }
0x13: {  	[hbm4b:s12+s13] =	stream.strided.scatter [tilespmem:s14], [sflag:$0x2], $0x800, s8, s13, $0x20;
	[tilespmem:$0x2020] =	vst v63  }
.LBB1_5:
0x14: {  	s14 =	sadd.s32 $0x1, s9  }
0x15: {  	s12 =	sadd.s32 $0x1000, s10;
	s16 =	smov.u32 s10;
	p2 =	sgt.s32 s14, $0xC7  }
0x16: {  	s16 =	smov.u32 @p2 s12  }
0x17: {  	s14 =	simm.s32 @p2 $0x0;
	p2 =	sgt.s32 s16, $0xFFF  }
0x18: {  	s16 =	smov.u32 @p2 s2;
	p2 =	sne.s32 s11, s7  }
.Ltmp1:
0x19: {  	p1 =	slt.u32 s11, $0x2;
	(pc) =	sbr.rel @!p2 .LBB1_6-.Ltmp1, $4  }
0x1a: {  	s15 =	simm.s32 @!p1 $0x2  }
0x1b: {  	s13 =	smov.u32 s10;
	p0 =	por !p0, !p0;
	_ =	swait.ge @!p1 [sflag:s15], $0x800  }
0x1c: {  	s12 =	smov.u32 s9;
	[sflag:s15] =	ssyncset.done @!p1 $0x0;
	s9 =	smov.u32 s14  }
0x1d: {  	s11 =	sadd.s32 $0x1, s11;
	[sflag:s15] =	ssyncadd.s32 @!p1 $0xFFFFF800;
	s10 =	smov.u32 s16  }
.LBB1_1:
0x1e: {  	p1 =	sge.u32 s11, s5  }
0x1f: {  	s14 =	sand.u32 @!p1 $0x1FFFFFF, s9  }
0x20: {  	s15 =	smulhi.u32 @!p1 $0x147AE15, s14;
	_ =	sdelay $0x1  }
0x21: {  	s15 =	smul.u32 @!p1 $0xC8, s15  }
0x22: {  	s16 =	sxor.u32 @!p1 $0xFFFFFFFF, s11;
	s17 =	smul.u32 @!p1 $0xC80, s10  }
0x23: {  	s31 =	sadd.s32 $0xFFFFFFFF, s11;
	s16 =	sshll.u32 @!p1 s16, $0xB;
	s14 =	ssub.s32 @!p1 s14, s15  }
0x24: {  	s15 =	sand.u32 @!p1 $0x800, s16;
	s16 =	sadd.s32 @!p1 s6, s17;
	s14 =	sshll.u32 @!p1 s14, $0x4  }
0x25: {  	s17 =	simm.s32 @!p1 $0x6400;
	s14 =	sadd.s32 @!p1 s14, s16;
	s16 =	simm.s32 @!p1 $0x10  }
0x26: {  	[tilespmem:s15], [sflag:$0x1] =	stream.strided.gather @!p1 [hbm4b:s14+s16], $0x800, s17, s16, $0x38;
	[tilespmem:$0x2020] =	vst v63  }
0x27: {  	p1 =	sge.u32 s31, s5  }
.Ltmp2:
0x28: {  	_ = 	snop;
	(pc) =	sbr.rel @p1 .LBB1_5-.Ltmp2, $1  }
0x29: {  	_ =	sdelay $0x3  }
0x2a: {  	s14 =	simm.s32 $0x1  }
0x2b: {  	s14 =	simm.s32 @!p0 $0x0  }
0x2c: {  	s15 =	sshll.u32 s14, $0xB  }
0x2d: {  	v0 =	vmov s15;
	_ =	sdelay $0x1  }
0x2e: {  	_ =	swait.ge [sflag:s4], $0x800  }
0x2f: {  	s31 =	sand.u32 $0x1, s11;
	[sflag:s4] =	ssyncset.done $0x0  }
0x30: {  	s17 =	simm.s32 $0x0;
	s14 =	smul.u32 $0x2040, s14;
	[sflag:s4] =	ssyncadd.s32 $0xFFFFF800  }
0x31: {  	s15 =	smul.u32 $0x2040, s31;
	v1 =	vld.idx.msk [tilespmem:v0+s17+$0x0 ss:$0x1], $0xffff;
	_ =	sdelay $0x1  }
0x32: {  	s14 =	sshrl.u32 s14, $0x2;
	s16 =	sshrl.u32 s15, $0x2  }
0x33: {  	s15 =	sor.u32 $0x1000, s14;
	s14 =	sor.u32 $0x1000, s16;
	s16 =	simm.s32 $0x40  }
.LBB1_3:
0x34: {  	s17 =	sshra.s32 s16, $0x2;
	p1 =	sne.s32 s16, $0x1FC0;
	s16 =	sadd.s32 $0x40, s16  }
.Ltmp3:
0x35: {  	[tilespmem:s15+$0x0 ss:$0x81] =	vst.msk $0xffff, v1;
	v1 =	vld.idx.msk [tilespmem:v0+s17+$0x0 ss:$0x1], $0xffff;
	(pc) =	sbr.rel @p1 .LBB1_3-.Ltmp3, $2  }
0x36: {  	_ =	sdelay $0x2  }
0x37: {  	s15 =	sadd.s32 $0x1, s15  }
.Ltmp4:
0x38: {  	_ = 	snop;
	(pc) =	sbr.rel .LBB1_4-.Ltmp4, $1  }
0x39: {  	_ =	sdelay $0x3  }
.LBB1_6:
0x3a: {  	_ =	sfence.sel $0x180000  }
0x3b: {  	s2 =	simm.s32 $0x1;
	[bflag:$0x0] =	sbarrier.arrive $0xFFFF  }
0x3c: {  	s31 =	simm.s32 $0x2;
	[sflag:s2] =	ssyncpa.u1 $0x1  }
0x3d: {  	[sflag:s31] =	ssyncpa.u1 $0x1  }
0x3e: {  	p0 =	sne.s32 s0, $0x0;
	_ =	strace $0x9000004A  }
0x3f: {  	s0 =	sadd.s32 @!p0 $0x100000, s1;
	[bflag:$0x2] =	sbarrier.arrive $0xFFFF  }
0x40: {  	[sflag:s0] =	ssyncadd.tile.s32 @!p0 $0x1;
	_ =	shalt  }
.Lfunc_end1:
_tile_overlayer_lowered:
.L_overlay_start_2:
0x41: {  	(tag) =	ssettag $0x2  }
0x42: {  	s0 =	rddreg [dreg:$0x0];
	s2 =	stileid.u32  }
0x43: {  	s1 =	rddreg [dreg:$0x1];
	p0 =	sne.s32 s2, $0x0  }
0x44: {  	s3 =	rddreg [dreg:$0x2];
	[bflag:$0x3] =	sbarrier.arrive $0xFFFF;
	s2 =	simm.s32 @!p0 $0x1C01  }
0x45: {  	[timem:s3], [sflag:s2] =	dma.local @!p0 [hbm:s0], s1  }
0x46: {  	s0 =	simm.s32 @!p0 $0x1  }
0x47: {  	_ =	swait.ge @!p0 [sflag:s0], s1  }
0x48: {  	s1 =	ssub.s32 @!p0 $0x0, s1;
	[sflag:s0] =	ssyncset.done @!p0 $0x0  }
0x49: {  	[sflag:s0] =	ssyncadd.s32 @!p0 s1  }
0x4a: {  	[bflag:$0x3] =	sbarrier.arrive $0xFFFF  }
0x4b: {  	_ =	shalt  }

</sc_bundles>
